<compile_context>
chip_gen: v7x
topology: tpu7x:2x2x1
jax: 0.10.2.dev20260603
libtpu: 0.0.44.dev20260713+nightly
codegen_flags: <defaults>
</compile_context>

<pallas_src>
import jax
import jax.numpy as jnp
from jax import lax
from jax.experimental import pallas as pl
from jax.experimental.pallas import tpu as pltpu
from jax.experimental.pallas import tpu_sc as plsc

_D = 100
_SEN = 50
_BATCH = 4096
_B = _BATCH * _SEN
_NCORES = 2
_DP = 128
_V = 90002
_TBLK = 16384
_SENP = 56
_CHUNK = 2 * _SEN + 4
_NC = 64
_IDS_ROWS = _B // (2 * _SEN)
_NBUF = 8
_OUT_ROWS = _BATCH * _SENP


def _emb_body(ids_hbm, table_hbm, out_hbm, idx_v, bufs, gsems, osems0, osems1):
    wid = lax.axis_index("s") * _NCORES + lax.axis_index("c")
    pltpu.sync_copy(ids_hbm.at[pl.ds(wid * _NC, _NC)], idx_v)
    sent0 = wid * 2 * _NC

    def body(g, carry):
        c0 = g * _NBUF
        gds = [
            pltpu.async_copy(table_hbm.at[idx_v.at[c0 + b]], bufs[b], gsems[b])
            for b in range(_NBUF)
        ]
        wds = []
        for b in range(_NBUF):
            gds[b].wait()
            s0 = (sent0 + 2 * (c0 + b)) * _SENP
            wds.append(pltpu.async_copy(
                bufs[b].at[pl.ds(0, _SEN)],
                out_hbm.at[pl.ds(s0, _SEN)], osems0[b]))
            wds.append(pltpu.async_copy(
                bufs[b].at[pl.ds(_SEN, _SEN)],
                out_hbm.at[pl.ds(s0 + _SENP, _SEN)], osems1[b]))
        for w in wds:
            w.wait()
        return carry

    lax.fori_loop(0, _NC // _NBUF, body, 0)


_emb_call = pl.kernel(
    _emb_body,
    out_type=jax.ShapeDtypeStruct((_OUT_ROWS, _DP), jnp.float32),
    mesh=plsc.VectorSubcoreMesh(core_axis_name="c", subcore_axis_name="s"),
    compiler_params=pltpu.CompilerParams(use_tc_tiling_on_sc=False),
    scratch_types=[
        pltpu.VMEM((_NC, _CHUNK), jnp.int32),
        tuple(pltpu.VMEM((_CHUNK, _DP), jnp.float32) for _ in range(_NBUF)),
        tuple(pltpu.SemaphoreType.DMA for _ in range(_NBUF)),
        tuple(pltpu.SemaphoreType.DMA for _ in range(_NBUF)),
        tuple(pltpu.SemaphoreType.DMA for _ in range(_NBUF)),
    ],
)


def _tr_body(tt_ref, out_ref):
    xt = jnp.swapaxes(tt_ref[...], 0, 1)
    out_ref[:, :_D] = xt
    out_ref[:, _D:] = jnp.zeros((_TBLK, _DP - _D), jnp.float32)


_tr_call = pl.pallas_call(
    _tr_body,
    grid=((_V + _TBLK - 1) // _TBLK,),
    in_specs=[pl.BlockSpec((_D, _TBLK), lambda j: (0, j))],
    out_specs=pl.BlockSpec((_TBLK, _DP), lambda j: (j, 0)),
    out_shape=jax.ShapeDtypeStruct((_V, _DP), jnp.float32),
)


def _len_body(ids_ref, out_ref):
    ids = ids_ref[...]
    cnt = jnp.sum((ids != 0).astype(jnp.float32), axis=1, keepdims=True)
    out_ref[...] = jnp.maximum(cnt, 1.0)


_len_call = pl.pallas_call(
    _len_body,
    out_shape=jax.ShapeDtypeStruct((_BATCH, 1), jnp.float32),
)


def kernel(ids, table):
    ids_i = ids.astype(jnp.int32)
    ids2 = ids_i.reshape(_IDS_ROWS, 2 * _SEN)
    ids_view = jnp.concatenate([ids2, ids2[:, :4]], axis=1)
    table_p = _tr_call(table.T)
    out4 = _emb_call(ids_view, table_p)
    emb = out4.reshape(_BATCH, _SENP, _DP)[:, :_SEN, :_D]
    length = _len_call(ids_i).reshape(_BATCH)
    return (emb, length)

# --- scband reference (transcript-rebuilt; emitter-appended) ---
"""Pipeline reference for scband-embedding-45011257262392 (READ-ONLY COPY).

The authoritative reference and input builder live on the scoring server;
editing this copy changes nothing except your own understanding.
"""

import jax, jax.numpy as jnp
import numpy as np

VOCAB_TOTAL = 90002  # vocab_size + 2
EMB_DIM = 100
SEN_MAXL = 50
BATCH = 4096


def setup_inputs(seed: int = 0) -> dict:
    key = jax.random.key(seed)
    k1, k2 = jax.random.split(key)
    ids = jax.random.randint(k1, (BATCH, SEN_MAXL), 0, VOCAB_TOTAL)
    table = jax.random.normal(k2, (VOCAB_TOTAL, EMB_DIM), dtype=jnp.float32)
    # padding_idx=0 -> row 0 initialized to zeros
    table = table.at[0].set(0.0)
    return {"ids": ids, "table": table}


def reference(ids, table):
    ids2 = ids.reshape(-1, SEN_MAXL)
    emb = jnp.take(table, ids2, axis=0)
    count = jnp.sum(ids2 != 0, axis=1).astype(jnp.int32)
    length = (1 + jnp.abs(2 * count - 1)) / 2
    return (emb, length)

if __name__ == "__main__":
    import jax
    _d = setup_inputs()
    print(jax.jit(kernel)(*tuple(_d.values())))

</pallas_src>

<mosaic_0001>
#map = affine_map<(d0, d1) -> (0, 0)>
module attributes {stable_mosaic.version = 14 : i64} {
  func.func @_emb_body(%arg0: i32, %arg1: i32, %arg2: memref<2048x104xi32, #tpu.memory_space<hbm>>, %arg3: memref<90002x128xf32, #tpu.memory_space<hbm>>, %arg4: memref<229376x128xf32, #tpu.memory_space<hbm>>, %arg5: memref<64x104xi32, #tpu.memory_space<vmem>>, %arg6: memref<104x128xf32, #tpu.memory_space<vmem>>, %arg7: memref<104x128xf32, #tpu.memory_space<vmem>>, %arg8: memref<104x128xf32, #tpu.memory_space<vmem>>, %arg9: memref<104x128xf32, #tpu.memory_space<vmem>>, %arg10: memref<104x128xf32, #tpu.memory_space<vmem>>, %arg11: memref<104x128xf32, #tpu.memory_space<vmem>>, %arg12: memref<104x128xf32, #tpu.memory_space<vmem>>, %arg13: memref<104x128xf32, #tpu.memory_space<vmem>>, %arg14: memref<!tpu.dma_semaphore, #tpu.memory_space<semaphore_mem>>, %arg15: memref<!tpu.dma_semaphore, #tpu.memory_space<semaphore_mem>>, %arg16: memref<!tpu.dma_semaphore, #tpu.memory_space<semaphore_mem>>, %arg17: memref<!tpu.dma_semaphore, #tpu.memory_space<semaphore_mem>>, %arg18: memref<!tpu.dma_semaphore, #tpu.memory_space<semaphore_mem>>, %arg19: memref<!tpu.dma_semaphore, #tpu.memory_space<semaphore_mem>>, %arg20: memref<!tpu.dma_semaphore, #tpu.memory_space<semaphore_mem>>, %arg21: memref<!tpu.dma_semaphore, #tpu.memory_space<semaphore_mem>>, %arg22: memref<!tpu.dma_semaphore, #tpu.memory_space<semaphore_mem>>, %arg23: memref<!tpu.dma_semaphore, #tpu.memory_space<semaphore_mem>>, %arg24: memref<!tpu.dma_semaphore, #tpu.memory_space<semaphore_mem>>, %arg25: memref<!tpu.dma_semaphore, #tpu.memory_space<semaphore_mem>>, %arg26: memref<!tpu.dma_semaphore, #tpu.memory_space<semaphore_mem>>, %arg27: memref<!tpu.dma_semaphore, #tpu.memory_space<semaphore_mem>>, %arg28: memref<!tpu.dma_semaphore, #tpu.memory_space<semaphore_mem>>, %arg29: memref<!tpu.dma_semaphore, #tpu.memory_space<semaphore_mem>>, %arg30: memref<!tpu.dma_semaphore, #tpu.memory_space<semaphore_mem>>, %arg31: memref<!tpu.dma_semaphore, #tpu.memory_space<semaphore_mem>>, %arg32: memref<!tpu.dma_semaphore, #tpu.memory_space<semaphore_mem>>, %arg33: memref<!tpu.dma_semaphore, #tpu.memory_space<semaphore_mem>>, %arg34: memref<!tpu.dma_semaphore, #tpu.memory_space<semaphore_mem>>, %arg35: memref<!tpu.dma_semaphore, #tpu.memory_space<semaphore_mem>>, %arg36: memref<!tpu.dma_semaphore, #tpu.memory_space<semaphore_mem>>, %arg37: memref<!tpu.dma_semaphore, #tpu.memory_space<semaphore_mem>>) attributes {dimension_semantics = [#tpu.dimension_semantics<core_parallel>, #tpu.dimension_semantics<subcore_parallel>], iteration_bounds = array<i64: 2, 16>, scalar_prefetch = 0 : i64, scratch_operands = 33 : i64, tpu.core_type = #tpu.core_type<sc_vector_subcore>, window_params = [{transform_indices = #map}, {transform_indices = #map}, {transform_indices = #map}]} {
    %mul3A = arith.constant 2 : i32
    %mul3A_0 = arith.muli %arg1, %mul3A : i32
    %add3A = arith.addi %mul3A_0, %arg0 : i32
    %mul3A_1 = arith.constant 64 : i32
    %mul3A_2 = arith.muli %add3A, %mul3A_1 : i32
    "tpu.region"() ({
      %run_scoped3A = tpu.sem_alloc : memref<!tpu.dma_semaphore, #tpu.memory_space<semaphore_mem>>
      %dma_start3A = arith.constant 0 : i32
      %dma_start3A_12 = tpu.memref_slice %arg2[%mul3A_2, %dma_start3A] : memref<2048x104xi32, #tpu.memory_space<hbm>> -> memref<64x104xi32, #tpu.memory_space<hbm>>
      %dma_start3A_13 = arith.constant 0 : i32
      %dma_start3A_14 = tpu.memref_slice %arg2[%mul3A_2, %dma_start3A_13] : memref<2048x104xi32, #tpu.memory_space<hbm>> -> memref<64x104xi32, #tpu.memory_space<hbm>>
      tpu.enqueue_dma source(%dma_start3A_14 : memref<64x104xi32, #tpu.memory_space<hbm>>) target(%arg5 : memref<64x104xi32, #tpu.memory_space<vmem>>) target_semaphore(%run_scoped3A : memref<!tpu.dma_semaphore, #tpu.memory_space<semaphore_mem>>)
      %dma_wait3A = arith.constant 0 : i32
      %dma_wait3A_15 = tpu.memref_slice %arg2[%mul3A_2, %dma_wait3A] : memref<2048x104xi32, #tpu.memory_space<hbm>> -> memref<64x104xi32, #tpu.memory_space<hbm>>
      %dma_wait3A_16 = arith.constant 0 : i32
      %dma_wait3A_17 = tpu.memref_slice %arg2[%mul3A_2, %dma_wait3A_16] : memref<2048x104xi32, #tpu.memory_space<hbm>> -> memref<64x104xi32, #tpu.memory_space<hbm>>
      tpu.wait_dma2 semaphore(%run_scoped3A : memref<!tpu.dma_semaphore, #tpu.memory_space<semaphore_mem>>) src(%dma_wait3A_17 : memref<64x104xi32, #tpu.memory_space<hbm>>) dst(%arg5 : memref<64x104xi32, #tpu.memory_space<vmem>>)
      tpu.yield
    }) : () -> ()
    %mul3A_3 = arith.constant 2 : i32
    %mul3A_4 = arith.muli %add3A, %mul3A_3 : i32
    %mul3A_5 = arith.constant 64 : i32
    %mul3A_6 = arith.muli %mul3A_4, %mul3A_5 : i32
    %scan3A = arith.constant 0 : i32
    %scan3A_7 = arith.constant 0 : i32
    %scan3A_8 = arith.constant 8 : i32
    %scan3A_9 = arith.addi %scan3A_7, %scan3A_8 : i32
    %scan3A_10 = arith.constant 1 : i32
    scf.for %scan3A_12 = %scan3A_7 to %scan3A_9 step %scan3A_10  : i32 {
      %mul3A_13 = arith.constant 8 : i32
      %mul3A_14 = arith.muli %scan3A_12, %mul3A_13 : i32
      %add3A_15 = arith.constant 0 : i32
      %add3A_16 = arith.addi %mul3A_14, %add3A_15 : i32
      %dma_start3A = arith.constant 0 : i32
      %dma_start3A_17 = tpu.memref_slice %arg5[%add3A_16, %dma_start3A] : memref<64x104xi32, #tpu.memory_space<vmem>> -> memref<1x104xi32, #tpu.memory_space<vmem>>
      %dma_start3A_18 = tpu.memref_squeeze %dma_start3A_17 : memref<1x104xi32, #tpu.memory_space<vmem>> -> memref<104xi32, #tpu.memory_space<vmem>>
      %dma_start3A_19 = arith.constant 0 : i32
      %dma_start3A_20 = arith.constant 0 : i32
      %dma_start3A_21 = tpu.memref_slice %arg3[%dma_start3A_19, %dma_start3A_20] : memref<90002x128xf32, #tpu.memory_space<hbm>> -> memref<90002x128xf32, #tpu.memory_space<hbm>>
      tpu.enqueue_indirect_dma source(%dma_start3A_21 : memref<90002x128xf32, #tpu.memory_space<hbm>>) target(%arg6 : memref<104x128xf32, #tpu.memory_space<vmem>>) offsets(%dma_start3A_18 : memref<104xi32, #tpu.memory_space<vmem>>) semaphore(%arg14 : memref<!tpu.dma_semaphore, #tpu.memory_space<semaphore_mem>>)
      %add3A_22 = arith.constant 1 : i32
      %add3A_23 = arith.addi %mul3A_14, %add3A_22 : i32
      %dma_start3A_24 = arith.constant 0 : i32
      %dma_start3A_25 = tpu.memref_slice %arg5[%add3A_23, %dma_start3A_24] : memref<64x104xi32, #tpu.memory_space<vmem>> -> memref<1x104xi32, #tpu.memory_space<vmem>>
      %dma_start3A_26 = tpu.memref_squeeze %dma_start3A_25 : memref<1x104xi32, #tpu.memory_space<vmem>> -> memref<104xi32, #tpu.memory_space<vmem>>
      %dma_start3A_27 = arith.constant 0 : i32
      %dma_start3A_28 = arith.constant 0 : i32
      %dma_start3A_29 = tpu.memref_slice %arg3[%dma_start3A_27, %dma_start3A_28] : memref<90002x128xf32, #tpu.memory_space<hbm>> -> memref<90002x128xf32, #tpu.memory_space<hbm>>
      tpu.enqueue_indirect_dma source(%dma_start3A_29 : memref<90002x128xf32, #tpu.memory_space<hbm>>) target(%arg7 : memref<104x128xf32, #tpu.memory_space<vmem>>) offsets(%dma_start3A_26 : memref<104xi32, #tpu.memory_space<vmem>>) semaphore(%arg15 : memref<!tpu.dma_semaphore, #tpu.memory_space<semaphore_mem>>)
      %add3A_30 = arith.constant 2 : i32
      %add3A_31 = arith.addi %mul3A_14, %add3A_30 : i32
      %dma_start3A_32 = arith.constant 0 : i32
      %dma_start3A_33 = tpu.memref_slice %arg5[%add3A_31, %dma_start3A_32] : memref<64x104xi32, #tpu.memory_space<vmem>> -> memref<1x104xi32, #tpu.memory_space<vmem>>
      %dma_start3A_34 = tpu.memref_squeeze %dma_start3A_33 : memref<1x104xi32, #tpu.memory_space<vmem>> -> memref<104xi32, #tpu.memory_space<vmem>>
      %dma_start3A_35 = arith.constant 0 : i32
      %dma_start3A_36 = arith.constant 0 : i32
      %dma_start3A_37 = tpu.memref_slice %arg3[%dma_start3A_35, %dma_start3A_36] : memref<90002x128xf32, #tpu.memory_space<hbm>> -> memref<90002x128xf32, #tpu.memory_space<hbm>>
      tpu.enqueue_indirect_dma source(%dma_start3A_37 : memref<90002x128xf32, #tpu.memory_space<hbm>>) target(%arg8 : memref<104x128xf32, #tpu.memory_space<vmem>>) offsets(%dma_start3A_34 : memref<104xi32, #tpu.memory_space<vmem>>) semaphore(%arg16 : memref<!tpu.dma_semaphore, #tpu.memory_space<semaphore_mem>>)
      %add3A_38 = arith.constant 3 : i32
      %add3A_39 = arith.addi %mul3A_14, %add3A_38 : i32
      %dma_start3A_40 = arith.constant 0 : i32
      %dma_start3A_41 = tpu.memref_slice %arg5[%add3A_39, %dma_start3A_40] : memref<64x104xi32, #tpu.memory_space<vmem>> -> memref<1x104xi32, #tpu.memory_space<vmem>>
      %dma_start3A_42 = tpu.memref_squeeze %dma_start3A_41 : memref<1x104xi32, #tpu.memory_space<vmem>> -> memref<104xi32, #tpu.memory_space<vmem>>
      %dma_start3A_43 = arith.constant 0 : i32
      %dma_start3A_44 = arith.constant 0 : i32
      %dma_start3A_45 = tpu.memref_slice %arg3[%dma_start3A_43, %dma_start3A_44] : memref<90002x128xf32, #tpu.memory_space<hbm>> -> memref<90002x128xf32, #tpu.memory_space<hbm>>
      tpu.enqueue_indirect_dma source(%dma_start3A_45 : memref<90002x128xf32, #tpu.memory_space<hbm>>) target(%arg9 : memref<104x128xf32, #tpu.memory_space<vmem>>) offsets(%dma_start3A_42 : memref<104xi32, #tpu.memory_space<vmem>>) semaphore(%arg17 : memref<!tpu.dma_semaphore, #tpu.memory_space<semaphore_mem>>)
      %add3A_46 = arith.constant 4 : i32
      %add3A_47 = arith.addi %mul3A_14, %add3A_46 : i32
      %dma_start3A_48 = arith.constant 0 : i32
      %dma_start3A_49 = tpu.memref_slice %arg5[%add3A_47, %dma_start3A_48] : memref<64x104xi32, #tpu.memory_space<vmem>> -> memref<1x104xi32, #tpu.memory_space<vmem>>
      %dma_start3A_50 = tpu.memref_squeeze %dma_start3A_49 : memref<1x104xi32, #tpu.memory_space<vmem>> -> memref<104xi32, #tpu.memory_space<vmem>>
      %dma_start3A_51 = arith.constant 0 : i32
      %dma_start3A_52 = arith.constant 0 : i32
      %dma_start3A_53 = tpu.memref_slice %arg3[%dma_start3A_51, %dma_start3A_52] : memref<90002x128xf32, #tpu.memory_space<hbm>> -> memref<90002x128xf32, #tpu.memory_space<hbm>>
      tpu.enqueue_indirect_dma source(%dma_start3A_53 : memref<90002x128xf32, #tpu.memory_space<hbm>>) target(%arg10 : memref<104x128xf32, #tpu.memory_space<vmem>>) offsets(%dma_start3A_50 : memref<104xi32, #tpu.memory_space<vmem>>) semaphore(%arg18 : memref<!tpu.dma_semaphore, #tpu.memory_space<semaphore_mem>>)
      %add3A_54 = arith.constant 5 : i32
      %add3A_55 = arith.addi %mul3A_14, %add3A_54 : i32
      %dma_start3A_56 = arith.constant 0 : i32
      %dma_start3A_57 = tpu.memref_slice %arg5[%add3A_55, %dma_start3A_56] : memref<64x104xi32, #tpu.memory_space<vmem>> -> memref<1x104xi32, #tpu.memory_space<vmem>>
      %dma_start3A_58 = tpu.memref_squeeze %dma_start3A_57 : memref<1x104xi32, #tpu.memory_space<vmem>> -> memref<104xi32, #tpu.memory_space<vmem>>
      %dma_start3A_59 = arith.constant 0 : i32
      %dma_start3A_60 = arith.constant 0 : i32
      %dma_start3A_61 = tpu.memref_slice %arg3[%dma_start3A_59, %dma_start3A_60] : memref<90002x128xf32, #tpu.memory_space<hbm>> -> memref<90002x128xf32, #tpu.memory_space<hbm>>
      tpu.enqueue_indirect_dma source(%dma_start3A_61 : memref<90002x128xf32, #tpu.memory_space<hbm>>) target(%arg11 : memref<104x128xf32, #tpu.memory_space<vmem>>) offsets(%dma_start3A_58 : memref<104xi32, #tpu.memory_space<vmem>>) semaphore(%arg19 : memref<!tpu.dma_semaphore, #tpu.memory_space<semaphore_mem>>)
      %add3A_62 = arith.constant 6 : i32
      %add3A_63 = arith.addi %mul3A_14, %add3A_62 : i32
      %dma_start3A_64 = arith.constant 0 : i32
      %dma_start3A_65 = tpu.memref_slice %arg5[%add3A_63, %dma_start3A_64] : memref<64x104xi32, #tpu.memory_space<vmem>> -> memref<1x104xi32, #tpu.memory_space<vmem>>
      %dma_start3A_66 = tpu.memref_squeeze %dma_start3A_65 : memref<1x104xi32, #tpu.memory_space<vmem>> -> memref<104xi32, #tpu.memory_space<vmem>>
      %dma_start3A_67 = arith.constant 0 : i32
      %dma_start3A_68 = arith.constant 0 : i32
      %dma_start3A_69 = tpu.memref_slice %arg3[%dma_start3A_67, %dma_start3A_68] : memref<90002x128xf32, #tpu.memory_space<hbm>> -> memref<90002x128xf32, #tpu.memory_space<hbm>>
      tpu.enqueue_indirect_dma source(%dma_start3A_69 : memref<90002x128xf32, #tpu.memory_space<hbm>>) target(%arg12 : memref<104x128xf32, #tpu.memory_space<vmem>>) offsets(%dma_start3A_66 : memref<104xi32, #tpu.memory_space<vmem>>) semaphore(%arg20 : memref<!tpu.dma_semaphore, #tpu.memory_space<semaphore_mem>>)
      %add3A_70 = arith.constant 7 : i32
      %add3A_71 = arith.addi %mul3A_14, %add3A_70 : i32
      %dma_start3A_72 = arith.constant 0 : i32
      %dma_start3A_73 = tpu.memref_slice %arg5[%add3A_71, %dma_start3A_72] : memref<64x104xi32, #tpu.memory_space<vmem>> -> memref<1x104xi32, #tpu.memory_space<vmem>>
      %dma_start3A_74 = tpu.memref_squeeze %dma_start3A_73 : memref<1x104xi32, #tpu.memory_space<vmem>> -> memref<104xi32, #tpu.memory_space<vmem>>
      %dma_start3A_75 = arith.constant 0 : i32
      %dma_start3A_76 = arith.constant 0 : i32
      %dma_start3A_77 = tpu.memref_slice %arg3[%dma_start3A_75, %dma_start3A_76] : memref<90002x128xf32, #tpu.memory_space<hbm>> -> memref<90002x128xf32, #tpu.memory_space<hbm>>
      tpu.enqueue_indirect_dma source(%dma_start3A_77 : memref<90002x128xf32, #tpu.memory_space<hbm>>) target(%arg13 : memref<104x128xf32, #tpu.memory_space<vmem>>) offsets(%dma_start3A_74 : memref<104xi32, #tpu.memory_space<vmem>>) semaphore(%arg21 : memref<!tpu.dma_semaphore, #tpu.memory_space<semaphore_mem>>)
      %dma_wait3A = arith.constant 0 : i32
      %dma_wait3A_78 = tpu.memref_slice %arg5[%add3A_16, %dma_wait3A] : memref<64x104xi32, #tpu.memory_space<vmem>> -> memref<1x104xi32, #tpu.memory_space<vmem>>
      %dma_wait3A_79 = tpu.memref_squeeze %dma_wait3A_78 : memref<1x104xi32, #tpu.memory_space<vmem>> -> memref<104xi32, #tpu.memory_space<vmem>>
      %dma_wait3A_80 = arith.constant 0 : i32
      %dma_wait3A_81 = arith.constant 0 : i32
      %dma_wait3A_82 = tpu.memref_slice %arg3[%dma_wait3A_80, %dma_wait3A_81] : memref<90002x128xf32, #tpu.memory_space<hbm>> -> memref<90002x128xf32, #tpu.memory_space<hbm>>
      tpu.wait_indirect_dma semaphore(%arg14 : memref<!tpu.dma_semaphore, #tpu.memory_space<semaphore_mem>>) src(%dma_wait3A_82 : memref<90002x128xf32, #tpu.memory_space<hbm>>) dst(%arg6 : memref<104x128xf32, #tpu.memory_space<vmem>>)
      %add3A_83 = arith.constant 0 : i32
      %add3A_84 = arith.addi %mul3A_14, %add3A_83 : i32
      %mul3A_85 = arith.constant 2 : i32
      %mul3A_86 = arith.muli %mul3A_85, %add3A_84 : i32
      %add3A_87 = arith.addi %mul3A_6, %mul3A_86 : i32
      %mul3A_88 = arith.constant 56 : i32
      %mul3A_89 = arith.muli %add3A_87, %mul3A_88 : i32
      %dma_start3A_90 = arith.constant 0 : i32
      %dma_start3A_91 = arith.constant 0 : i32
      %dma_start3A_92 = tpu.memref_slice %arg6[%dma_start3A_90, %dma_start3A_91] : memref<104x128xf32, #tpu.memory_space<vmem>> -> memref<50x128xf32, #tpu.memory_space<vmem>>
      %dma_start3A_93 = arith.constant 0 : i32
      %dma_start3A_94 = tpu.memref_slice %arg4[%mul3A_89, %dma_start3A_93] : memref<229376x128xf32, #tpu.memory_space<hbm>> -> memref<50x128xf32, #tpu.memory_space<hbm>>
      %dma_start3A_95 = arith.constant 0 : i32
      %dma_start3A_96 = tpu.memref_slice %arg4[%mul3A_89, %dma_start3A_95] : memref<229376x128xf32, #tpu.memory_space<hbm>> -> memref<50x128xf32, #tpu.memory_space<hbm>>
      %dma_start3A_97 = arith.constant 0 : i32
      %dma_start3A_98 = arith.constant 0 : i32
      %dma_start3A_99 = tpu.memref_slice %arg6[%dma_start3A_97, %dma_start3A_98] : memref<104x128xf32, #tpu.memory_space<vmem>> -> memref<50x128xf32, #tpu.memory_space<vmem>>
      tpu.enqueue_dma source(%dma_start3A_99 : memref<50x128xf32, #tpu.memory_space<vmem>>) target(%dma_start3A_96 : memref<50x128xf32, #tpu.memory_space<hbm>>) target_semaphore(%arg22 : memref<!tpu.dma_semaphore, #tpu.memory_space<semaphore_mem>>)
      %add3A_100 = arith.constant 56 : i32
      %add3A_101 = arith.addi %mul3A_89, %add3A_100 : i32
      %dma_start3A_102 = arith.constant 50 : i32
      %dma_start3A_103 = arith.constant 0 : i32
      %dma_start3A_104 = tpu.memref_slice %arg6[%dma_start3A_102, %dma_start3A_103] : memref<104x128xf32, #tpu.memory_space<vmem>> -> memref<50x128xf32, #tpu.memory_space<vmem>>
      %dma_start3A_105 = arith.constant 0 : i32
      %dma_start3A_106 = tpu.memref_slice %arg4[%add3A_101, %dma_start3A_105] : memref<229376x128xf32, #tpu.memory_space<hbm>> -> memref<50x128xf32, #tpu.memory_space<hbm>>
      %dma_start3A_107 = arith.constant 0 : i32
      %dma_start3A_108 = tpu.memref_slice %arg4[%add3A_101, %dma_start3A_107] : memref<229376x128xf32, #tpu.memory_space<hbm>> -> memref<50x128xf32, #tpu.memory_space<hbm>>
      %dma_start3A_109 = arith.constant 50 : i32
      %dma_start3A_110 = arith.constant 0 : i32
      %dma_start3A_111 = tpu.memref_slice %arg6[%dma_start3A_109, %dma_start3A_110] : memref<104x128xf32, #tpu.memory_space<vmem>> -> memref<50x128xf32, #tpu.memory_space<vmem>>
      tpu.enqueue_dma source(%dma_start3A_111 : memref<50x128xf32, #tpu.memory_space<vmem>>) target(%dma_start3A_108 : memref<50x128xf32, #tpu.memory_space<hbm>>) target_semaphore(%arg30 : memref<!tpu.dma_semaphore, #tpu.memory_space<semaphore_mem>>)
      %dma_wait3A_112 = arith.constant 0 : i32
      %dma_wait3A_113 = tpu.memref_slice %arg5[%add3A_23, %dma_wait3A_112] : memref<64x104xi32, #tpu.memory_space<vmem>> -> memref<1x104xi32, #tpu.memory_space<vmem>>
      %dma_wait3A_114 = tpu.memref_squeeze %dma_wait3A_113 : memref<1x104xi32, #tpu.memory_space<vmem>> -> memref<104xi32, #tpu.memory_space<vmem>>
      %dma_wait3A_115 = arith.constant 0 : i32
      %dma_wait3A_116 = arith.constant 0 : i32
      %dma_wait3A_117 = tpu.memref_slice %arg3[%dma_wait3A_115, %dma_wait3A_116] : memref<90002x128xf32, #tpu.memory_space<hbm>> -> memref<90002x128xf32, #tpu.memory_space<hbm>>
      tpu.wait_indirect_dma semaphore(%arg15 : memref<!tpu.dma_semaphore, #tpu.memory_space<semaphore_mem>>) src(%dma_wait3A_117 : memref<90002x128xf32, #tpu.memory_space<hbm>>) dst(%arg7 : memref<104x128xf32, #tpu.memory_space<vmem>>)
      %add3A_118 = arith.constant 1 : i32
      %add3A_119 = arith.addi %mul3A_14, %add3A_118 : i32
      %mul3A_120 = arith.constant 2 : i32
      %mul3A_121 = arith.muli %mul3A_120, %add3A_119 : i32
      %add3A_122 = arith.addi %mul3A_6, %mul3A_121 : i32
      %mul3A_123 = arith.constant 56 : i32
      %mul3A_124 = arith.muli %add3A_122, %mul3A_123 : i32
      %dma_start3A_125 = arith.constant 0 : i32
      %dma_start3A_126 = arith.constant 0 : i32
      %dma_start3A_127 = tpu.memref_slice %arg7[%dma_start3A_125, %dma_start3A_126] : memref<104x128xf32, #tpu.memory_space<vmem>> -> memref<50x128xf32, #tpu.memory_space<vmem>>
      %dma_start3A_128 = arith.constant 0 : i32
      %dma_start3A_129 = tpu.memref_slice %arg4[%mul3A_124, %dma_start3A_128] : memref<229376x128xf32, #tpu.memory_space<hbm>> -> memref<50x128xf32, #tpu.memory_space<hbm>>
      %dma_start3A_130 = arith.constant 0 : i32
      %dma_start3A_131 = tpu.memref_slice %arg4[%mul3A_124, %dma_start3A_130] : memref<229376x128xf32, #tpu.memory_space<hbm>> -> memref<50x128xf32, #tpu.memory_space<hbm>>
      %dma_start3A_132 = arith.constant 0 : i32
      %dma_start3A_133 = arith.constant 0 : i32
      %dma_start3A_134 = tpu.memref_slice %arg7[%dma_start3A_132, %dma_start3A_133] : memref<104x128xf32, #tpu.memory_space<vmem>> -> memref<50x128xf32, #tpu.memory_space<vmem>>
      tpu.enqueue_dma source(%dma_start3A_134 : memref<50x128xf32, #tpu.memory_space<vmem>>) target(%dma_start3A_131 : memref<50x128xf32, #tpu.memory_space<hbm>>) target_semaphore(%arg23 : memref<!tpu.dma_semaphore, #tpu.memory_space<semaphore_mem>>)
      %add3A_135 = arith.constant 56 : i32
      %add3A_136 = arith.addi %mul3A_124, %add3A_135 : i32
      %dma_start3A_137 = arith.constant 50 : i32
      %dma_start3A_138 = arith.constant 0 : i32
      %dma_start3A_139 = tpu.memref_slice %arg7[%dma_start3A_137, %dma_start3A_138] : memref<104x128xf32, #tpu.memory_space<vmem>> -> memref<50x128xf32, #tpu.memory_space<vmem>>
      %dma_start3A_140 = arith.constant 0 : i32
      %dma_start3A_141 = tpu.memref_slice %arg4[%add3A_136, %dma_start3A_140] : memref<229376x128xf32, #tpu.memory_space<hbm>> -> memref<50x128xf32, #tpu.memory_space<hbm>>
      %dma_start3A_142 = arith.constant 0 : i32
      %dma_start3A_143 = tpu.memref_slice %arg4[%add3A_136, %dma_start3A_142] : memref<229376x128xf32, #tpu.memory_space<hbm>> -> memref<50x128xf32, #tpu.memory_space<hbm>>
      %dma_start3A_144 = arith.constant 50 : i32
      %dma_start3A_145 = arith.constant 0 : i32
      %dma_start3A_146 = tpu.memref_slice %arg7[%dma_start3A_144, %dma_start3A_145] : memref<104x128xf32, #tpu.memory_space<vmem>> -> memref<50x128xf32, #tpu.memory_space<vmem>>
      tpu.enqueue_dma source(%dma_start3A_146 : memref<50x128xf32, #tpu.memory_space<vmem>>) target(%dma_start3A_143 : memref<50x128xf32, #tpu.memory_space<hbm>>) target_semaphore(%arg31 : memref<!tpu.dma_semaphore, #tpu.memory_space<semaphore_mem>>)
      %dma_wait3A_147 = arith.constant 0 : i32
      %dma_wait3A_148 = tpu.memref_slice %arg5[%add3A_31, %dma_wait3A_147] : memref<64x104xi32, #tpu.memory_space<vmem>> -> memref<1x104xi32, #tpu.memory_space<vmem>>
      %dma_wait3A_149 = tpu.memref_squeeze %dma_wait3A_148 : memref<1x104xi32, #tpu.memory_space<vmem>> -> memref<104xi32, #tpu.memory_space<vmem>>
      %dma_wait3A_150 = arith.constant 0 : i32
      %dma_wait3A_151 = arith.constant 0 : i32
      %dma_wait3A_152 = tpu.memref_slice %arg3[%dma_wait3A_150, %dma_wait3A_151] : memref<90002x128xf32, #tpu.memory_space<hbm>> -> memref<90002x128xf32, #tpu.memory_space<hbm>>
      tpu.wait_indirect_dma semaphore(%arg16 : memref<!tpu.dma_semaphore, #tpu.memory_space<semaphore_mem>>) src(%dma_wait3A_152 : memref<90002x128xf32, #tpu.memory_space<hbm>>) dst(%arg8 : memref<104x128xf32, #tpu.memory_space<vmem>>)
      %add3A_153 = arith.constant 2 : i32
      %add3A_154 = arith.addi %mul3A_14, %add3A_153 : i32
      %mul3A_155 = arith.constant 2 : i32
      %mul3A_156 = arith.muli %mul3A_155, %add3A_154 : i32
      %add3A_157 = arith.addi %mul3A_6, %mul3A_156 : i32
      %mul3A_158 = arith.constant 56 : i32
      %mul3A_159 = arith.muli %add3A_157, %mul3A_158 : i32
      %dma_start3A_160 = arith.constant 0 : i32
      %dma_start3A_161 = arith.constant 0 : i32
      %dma_start3A_162 = tpu.memref_slice %arg8[%dma_start3A_160, %dma_start3A_161] : memref<104x128xf32, #tpu.memory_space<vmem>> -> memref<50x128xf32, #tpu.memory_space<vmem>>
      %dma_start3A_163 = arith.constant 0 : i32
      %dma_start3A_164 = tpu.memref_slice %arg4[%mul3A_159, %dma_start3A_163] : memref<229376x128xf32, #tpu.memory_space<hbm>> -> memref<50x128xf32, #tpu.memory_space<hbm>>
      %dma_start3A_165 = arith.constant 0 : i32
      %dma_start3A_166 = tpu.memref_slice %arg4[%mul3A_159, %dma_start3A_165] : memref<229376x128xf32, #tpu.memory_space<hbm>> -> memref<50x128xf32, #tpu.memory_space<hbm>>
      %dma_start3A_167 = arith.constant 0 : i32
      %dma_start3A_168 = arith.constant 0 : i32
      %dma_start3A_169 = tpu.memref_slice %arg8[%dma_start3A_167, %dma_start3A_168] : memref<104x128xf32, #tpu.memory_space<vmem>> -> memref<50x128xf32, #tpu.memory_space<vmem>>
      tpu.enqueue_dma source(%dma_start3A_169 : memref<50x128xf32, #tpu.memory_space<vmem>>) target(%dma_start3A_166 : memref<50x128xf32, #tpu.memory_space<hbm>>) target_semaphore(%arg24 : memref<!tpu.dma_semaphore, #tpu.memory_space<semaphore_mem>>)
      %add3A_170 = arith.constant 56 : i32
      %add3A_171 = arith.addi %mul3A_159, %add3A_170 : i32
      %dma_start3A_172 = arith.constant 50 : i32
      %dma_start3A_173 = arith.constant 0 : i32
      %dma_start3A_174 = tpu.memref_slice %arg8[%dma_start3A_172, %dma_start3A_173] : memref<104x128xf32, #tpu.memory_space<vmem>> -> memref<50x128xf32, #tpu.memory_space<vmem>>
      %dma_start3A_175 = arith.constant 0 : i32
      %dma_start3A_176 = tpu.memref_slice %arg4[%add3A_171, %dma_start3A_175] : memref<229376x128xf32, #tpu.memory_space<hbm>> -> memref<50x128xf32, #tpu.memory_space<hbm>>
      %dma_start3A_177 = arith.constant 0 : i32
      %dma_start3A_178 = tpu.memref_slice %arg4[%add3A_171, %dma_start3A_177] : memref<229376x128xf32, #tpu.memory_space<hbm>> -> memref<50x128xf32, #tpu.memory_space<hbm>>
      %dma_start3A_179 = arith.constant 50 : i32
      %dma_start3A_180 = arith.constant 0 : i32
      %dma_start3A_181 = tpu.memref_slice %arg8[%dma_start3A_179, %dma_start3A_180] : memref<104x128xf32, #tpu.memory_space<vmem>> -> memref<50x128xf32, #tpu.memory_space<vmem>>
      tpu.enqueue_dma source(%dma_start3A_181 : memref<50x128xf32, #tpu.memory_space<vmem>>) target(%dma_start3A_178 : memref<50x128xf32, #tpu.memory_space<hbm>>) target_semaphore(%arg32 : memref<!tpu.dma_semaphore, #tpu.memory_space<semaphore_mem>>)
      %dma_wait3A_182 = arith.constant 0 : i32
      %dma_wait3A_183 = tpu.memref_slice %arg5[%add3A_39, %dma_wait3A_182] : memref<64x104xi32, #tpu.memory_space<vmem>> -> memref<1x104xi32, #tpu.memory_space<vmem>>
      %dma_wait3A_184 = tpu.memref_squeeze %dma_wait3A_183 : memref<1x104xi32, #tpu.memory_space<vmem>> -> memref<104xi32, #tpu.memory_space<vmem>>
      %dma_wait3A_185 = arith.constant 0 : i32
      %dma_wait3A_186 = arith.constant 0 : i32
      %dma_wait3A_187 = tpu.memref_slice %arg3[%dma_wait3A_185, %dma_wait3A_186] : memref<90002x128xf32, #tpu.memory_space<hbm>> -> memref<90002x128xf32, #tpu.memory_space<hbm>>
      tpu.wait_indirect_dma semaphore(%arg17 : memref<!tpu.dma_semaphore, #tpu.memory_space<semaphore_mem>>) src(%dma_wait3A_187 : memref<90002x128xf32, #tpu.memory_space<hbm>>) dst(%arg9 : memref<104x128xf32, #tpu.memory_space<vmem>>)
      %add3A_188 = arith.constant 3 : i32
      %add3A_189 = arith.addi %mul3A_14, %add3A_188 : i32
      %mul3A_190 = arith.constant 2 : i32
      %mul3A_191 = arith.muli %mul3A_190, %add3A_189 : i32
      %add3A_192 = arith.addi %mul3A_6, %mul3A_191 : i32
      %mul3A_193 = arith.constant 56 : i32
      %mul3A_194 = arith.muli %add3A_192, %mul3A_193 : i32
      %dma_start3A_195 = arith.constant 0 : i32
      %dma_start3A_196 = arith.constant 0 : i32
      %dma_start3A_197 = tpu.memref_slice %arg9[%dma_start3A_195, %dma_start3A_196] : memref<104x128xf32, #tpu.memory_space<vmem>> -> memref<50x128xf32, #tpu.memory_space<vmem>>
      %dma_start3A_198 = arith.constant 0 : i32
      %dma_start3A_199 = tpu.memref_slice %arg4[%mul3A_194, %dma_start3A_198] : memref<229376x128xf32, #tpu.memory_space<hbm>> -> memref<50x128xf32, #tpu.memory_space<hbm>>
      %dma_start3A_200 = arith.constant 0 : i32
      %dma_start3A_201 = tpu.memref_slice %arg4[%mul3A_194, %dma_start3A_200] : memref<229376x128xf32, #tpu.memory_space<hbm>> -> memref<50x128xf32, #tpu.memory_space<hbm>>
      %dma_start3A_202 = arith.constant 0 : i32
      %dma_start3A_203 = arith.constant 0 : i32
      %dma_start3A_204 = tpu.memref_slice %arg9[%dma_start3A_202, %dma_start3A_203] : memref<104x128xf32, #tpu.memory_space<vmem>> -> memref<50x128xf32, #tpu.memory_space<vmem>>
      tpu.enqueue_dma source(%dma_start3A_204 : memref<50x128xf32, #tpu.memory_space<vmem>>) target(%dma_start3A_201 : memref<50x128xf32, #tpu.memory_space<hbm>>) target_semaphore(%arg25 : memref<!tpu.dma_semaphore, #tpu.memory_space<semaphore_mem>>)
      %add3A_205 = arith.constant 56 : i32
      %add3A_206 = arith.addi %mul3A_194, %add3A_205 : i32
      %dma_start3A_207 = arith.constant 50 : i32
      %dma_start3A_208 = arith.constant 0 : i32
      %dma_start3A_209 = tpu.memref_slice %arg9[%dma_start3A_207, %dma_start3A_208] : memref<104x128xf32, #tpu.memory_space<vmem>> -> memref<50x128xf32, #tpu.memory_space<vmem>>
      %dma_start3A_210 = arith.constant 0 : i32
      %dma_start3A_211 = tpu.memref_slice %arg4[%add3A_206, %dma_start3A_210] : memref<229376x128xf32, #tpu.memory_space<hbm>> -> memref<50x128xf32, #tpu.memory_space<hbm>>
      %dma_start3A_212 = arith.constant 0 : i32
      %dma_start3A_213 = tpu.memref_slice %arg4[%add3A_206, %dma_start3A_212] : memref<229376x128xf32, #tpu.memory_space<hbm>> -> memref<50x128xf32, #tpu.memory_space<hbm>>
      %dma_start3A_214 = arith.constant 50 : i32
      %dma_start3A_215 = arith.constant 0 : i32
      %dma_start3A_216 = tpu.memref_slice %arg9[%dma_start3A_214, %dma_start3A_215] : memref<104x128xf32, #tpu.memory_space<vmem>> -> memref<50x128xf32, #tpu.memory_space<vmem>>
      tpu.enqueue_dma source(%dma_start3A_216 : memref<50x128xf32, #tpu.memory_space<vmem>>) target(%dma_start3A_213 : memref<50x128xf32, #tpu.memory_space<hbm>>) target_semaphore(%arg33 : memref<!tpu.dma_semaphore, #tpu.memory_space<semaphore_mem>>)
      %dma_wait3A_217 = arith.constant 0 : i32
      %dma_wait3A_218 = tpu.memref_slice %arg5[%add3A_47, %dma_wait3A_217] : memref<64x104xi32, #tpu.memory_space<vmem>> -> memref<1x104xi32, #tpu.memory_space<vmem>>
      %dma_wait3A_219 = tpu.memref_squeeze %dma_wait3A_218 : memref<1x104xi32, #tpu.memory_space<vmem>> -> memref<104xi32, #tpu.memory_space<vmem>>
      %dma_wait3A_220 = arith.constant 0 : i32
      %dma_wait3A_221 = arith.constant 0 : i32
      %dma_wait3A_222 = tpu.memref_slice %arg3[%dma_wait3A_220, %dma_wait3A_221] : memref<90002x128xf32, #tpu.memory_space<hbm>> -> memref<90002x128xf32, #tpu.memory_space<hbm>>
      tpu.wait_indirect_dma semaphore(%arg18 : memref<!tpu.dma_semaphore, #tpu.memory_space<semaphore_mem>>) src(%dma_wait3A_222 : memref<90002x128xf32, #tpu.memory_space<hbm>>) dst(%arg10 : memref<104x128xf32, #tpu.memory_space<vmem>>)
      %add3A_223 = arith.constant 4 : i32
      %add3A_224 = arith.addi %mul3A_14, %add3A_223 : i32
      %mul3A_225 = arith.constant 2 : i32
      %mul3A_226 = arith.muli %mul3A_225, %add3A_224 : i32
      %add3A_227 = arith.addi %mul3A_6, %mul3A_226 : i32
      %mul3A_228 = arith.constant 56 : i32
      %mul3A_229 = arith.muli %add3A_227, %mul3A_228 : i32
      %dma_start3A_230 = arith.constant 0 : i32
      %dma_start3A_231 = arith.constant 0 : i32
      %dma_start3A_232 = tpu.memref_slice %arg10[%dma_start3A_230, %dma_start3A_231] : memref<104x128xf32, #tpu.memory_space<vmem>> -> memref<50x128xf32, #tpu.memory_space<vmem>>
      %dma_start3A_233 = arith.constant 0 : i32
      %dma_start3A_234 = tpu.memref_slice %arg4[%mul3A_229, %dma_start3A_233] : memref<229376x128xf32, #tpu.memory_space<hbm>> -> memref<50x128xf32, #tpu.memory_space<hbm>>
      %dma_start3A_235 = arith.constant 0 : i32
      %dma_start3A_236 = tpu.memref_slice %arg4[%mul3A_229, %dma_start3A_235] : memref<229376x128xf32, #tpu.memory_space<hbm>> -> memref<50x128xf32, #tpu.memory_space<hbm>>
      %dma_start3A_237 = arith.constant 0 : i32
      %dma_start3A_238 = arith.constant 0 : i32
      %dma_start3A_239 = tpu.memref_slice %arg10[%dma_start3A_237, %dma_start3A_238] : memref<104x128xf32, #tpu.memory_space<vmem>> -> memref<50x128xf32, #tpu.memory_space<vmem>>
      tpu.enqueue_dma source(%dma_start3A_239 : memref<50x128xf32, #tpu.memory_space<vmem>>) target(%dma_start3A_236 : memref<50x128xf32, #tpu.memory_space<hbm>>) target_semaphore(%arg26 : memref<!tpu.dma_semaphore, #tpu.memory_space<semaphore_mem>>)
      %add3A_240 = arith.constant 56 : i32
      %add3A_241 = arith.addi %mul3A_229, %add3A_240 : i32
      %dma_start3A_242 = arith.constant 50 : i32
      %dma_start3A_243 = arith.constant 0 : i32
      %dma_start3A_244 = tpu.memref_slice %arg10[%dma_start3A_242, %dma_start3A_243] : memref<104x128xf32, #tpu.memory_space<vmem>> -> memref<50x128xf32, #tpu.memory_space<vmem>>
      %dma_start3A_245 = arith.constant 0 : i32
      %dma_start3A_246 = tpu.memref_slice %arg4[%add3A_241, %dma_start3A_245] : memref<229376x128xf32, #tpu.memory_space<hbm>> -> memref<50x128xf32, #tpu.memory_space<hbm>>
      %dma_start3A_247 = arith.constant 0 : i32
      %dma_start3A_248 = tpu.memref_slice %arg4[%add3A_241, %dma_start3A_247] : memref<229376x128xf32, #tpu.memory_space<hbm>> -> memref<50x128xf32, #tpu.memory_space<hbm>>
      %dma_start3A_249 = arith.constant 50 : i32
      %dma_start3A_250 = arith.constant 0 : i32
      %dma_start3A_251 = tpu.memref_slice %arg10[%dma_start3A_249, %dma_start3A_250] : memref<104x128xf32, #tpu.memory_space<vmem>> -> memref<50x128xf32, #tpu.memory_space<vmem>>
      tpu.enqueue_dma source(%dma_start3A_251 : memref<50x128xf32, #tpu.memory_space<vmem>>) target(%dma_start3A_248 : memref<50x128xf32, #tpu.memory_space<hbm>>) target_semaphore(%arg34 : memref<!tpu.dma_semaphore, #tpu.memory_space<semaphore_mem>>)
      %dma_wait3A_252 = arith.constant 0 : i32
      %dma_wait3A_253 = tpu.memref_slice %arg5[%add3A_55, %dma_wait3A_252] : memref<64x104xi32, #tpu.memory_space<vmem>> -> memref<1x104xi32, #tpu.memory_space<vmem>>
      %dma_wait3A_254 = tpu.memref_squeeze %dma_wait3A_253 : memref<1x104xi32, #tpu.memory_space<vmem>> -> memref<104xi32, #tpu.memory_space<vmem>>
      %dma_wait3A_255 = arith.constant 0 : i32
      %dma_wait3A_256 = arith.constant 0 : i32
      %dma_wait3A_257 = tpu.memref_slice %arg3[%dma_wait3A_255, %dma_wait3A_256] : memref<90002x128xf32, #tpu.memory_space<hbm>> -> memref<90002x128xf32, #tpu.memory_space<hbm>>
      tpu.wait_indirect_dma semaphore(%arg19 : memref<!tpu.dma_semaphore, #tpu.memory_space<semaphore_mem>>) src(%dma_wait3A_257 : memref<90002x128xf32, #tpu.memory_space<hbm>>) dst(%arg11 : memref<104x128xf32, #tpu.memory_space<vmem>>)
      %add3A_258 = arith.constant 5 : i32
      %add3A_259 = arith.addi %mul3A_14, %add3A_258 : i32
      %mul3A_260 = arith.constant 2 : i32
      %mul3A_261 = arith.muli %mul3A_260, %add3A_259 : i32
      %add3A_262 = arith.addi %mul3A_6, %mul3A_261 : i32
      %mul3A_263 = arith.constant 56 : i32
      %mul3A_264 = arith.muli %add3A_262, %mul3A_263 : i32
      %dma_start3A_265 = arith.constant 0 : i32
      %dma_start3A_266 = arith.constant 0 : i32
      %dma_start3A_267 = tpu.memref_slice %arg11[%dma_start3A_265, %dma_start3A_266] : memref<104x128xf32, #tpu.memory_space<vmem>> -> memref<50x128xf32, #tpu.memory_space<vmem>>
      %dma_start3A_268 = arith.constant 0 : i32
      %dma_start3A_269 = tpu.memref_slice %arg4[%mul3A_264, %dma_start3A_268] : memref<229376x128xf32, #tpu.memory_space<hbm>> -> memref<50x128xf32, #tpu.memory_space<hbm>>
      %dma_start3A_270 = arith.constant 0 : i32
      %dma_start3A_271 = tpu.memref_slice %arg4[%mul3A_264, %dma_start3A_270] : memref<229376x128xf32, #tpu.memory_space<hbm>> -> memref<50x128xf32, #tpu.memory_space<hbm>>
      %dma_start3A_272 = arith.constant 0 : i32
      %dma_start3A_273 = arith.constant 0 : i32
      %dma_start3A_274 = tpu.memref_slice %arg11[%dma_start3A_272, %dma_start3A_273] : memref<104x128xf32, #tpu.memory_space<vmem>> -> memref<50x128xf32, #tpu.memory_space<vmem>>
      tpu.enqueue_dma source(%dma_start3A_274 : memref<50x128xf32, #tpu.memory_space<vmem>>) target(%dma_start3A_271 : memref<50x128xf32, #tpu.memory_space<hbm>>) target_semaphore(%arg27 : memref<!tpu.dma_semaphore, #tpu.memory_space<semaphore_mem>>)
      %add3A_275 = arith.constant 56 : i32
      %add3A_276 = arith.addi %mul3A_264, %add3A_275 : i32
      %dma_start3A_277 = arith.constant 50 : i32
      %dma_start3A_278 = arith.constant 0 : i32
      %dma_start3A_279 = tpu.memref_slice %arg11[%dma_start3A_277, %dma_start3A_278] : memref<104x128xf32, #tpu.memory_space<vmem>> -> memref<50x128xf32, #tpu.memory_space<vmem>>
      %dma_start3A_280 = arith.constant 0 : i32
      %dma_start3A_281 = tpu.memref_slice %arg4[%add3A_276, %dma_start3A_280] : memref<229376x128xf32, #tpu.memory_space<hbm>> -> memref<50x128xf32, #tpu.memory_space<hbm>>
      %dma_start3A_282 = arith.constant 0 : i32
      %dma_start3A_283 = tpu.memref_slice %arg4[%add3A_276, %dma_start3A_282] : memref<229376x128xf32, #tpu.memory_space<hbm>> -> memref<50x128xf32, #tpu.memory_space<hbm>>
      %dma_start3A_284 = arith.constant 50 : i32
      %dma_start3A_285 = arith.constant 0 : i32
      %dma_start3A_286 = tpu.memref_slice %arg11[%dma_start3A_284, %dma_start3A_285] : memref<104x128xf32, #tpu.memory_space<vmem>> -> memref<50x128xf32, #tpu.memory_space<vmem>>
      tpu.enqueue_dma source(%dma_start3A_286 : memref<50x128xf32, #tpu.memory_space<vmem>>) target(%dma_start3A_283 : memref<50x128xf32, #tpu.memory_space<hbm>>) target_semaphore(%arg35 : memref<!tpu.dma_semaphore, #tpu.memory_space<semaphore_mem>>)
      %dma_wait3A_287 = arith.constant 0 : i32
      %dma_wait3A_288 = tpu.memref_slice %arg5[%add3A_63, %dma_wait3A_287] : memref<64x104xi32, #tpu.memory_space<vmem>> -> memref<1x104xi32, #tpu.memory_space<vmem>>
      %dma_wait3A_289 = tpu.memref_squeeze %dma_wait3A_288 : memref<1x104xi32, #tpu.memory_space<vmem>> -> memref<104xi32, #tpu.memory_space<vmem>>
      %dma_wait3A_290 = arith.constant 0 : i32
      %dma_wait3A_291 = arith.constant 0 : i32
      %dma_wait3A_292 = tpu.memref_slice %arg3[%dma_wait3A_290, %dma_wait3A_291] : memref<90002x128xf32, #tpu.memory_space<hbm>> -> memref<90002x128xf32, #tpu.memory_space<hbm>>
      tpu.wait_indirect_dma semaphore(%arg20 : memref<!tpu.dma_semaphore, #tpu.memory_space<semaphore_mem>>) src(%dma_wait3A_292 : memref<90002x128xf32, #tpu.memory_space<hbm>>) dst(%arg12 : memref<104x128xf32, #tpu.memory_space<vmem>>)
      %add3A_293 = arith.constant 6 : i32
      %add3A_294 = arith.addi %mul3A_14, %add3A_293 : i32
      %mul3A_295 = arith.constant 2 : i32
      %mul3A_296 = arith.muli %mul3A_295, %add3A_294 : i32
      %add3A_297 = arith.addi %mul3A_6, %mul3A_296 : i32
      %mul3A_298 = arith.constant 56 : i32
      %mul3A_299 = arith.muli %add3A_297, %mul3A_298 : i32
      %dma_start3A_300 = arith.constant 0 : i32
      %dma_start3A_301 = arith.constant 0 : i32
      %dma_start3A_302 = tpu.memref_slice %arg12[%dma_start3A_300, %dma_start3A_301] : memref<104x128xf32, #tpu.memory_space<vmem>> -> memref<50x128xf32, #tpu.memory_space<vmem>>
      %dma_start3A_303 = arith.constant 0 : i32
      %dma_start3A_304 = tpu.memref_slice %arg4[%mul3A_299, %dma_start3A_303] : memref<229376x128xf32, #tpu.memory_space<hbm>> -> memref<50x128xf32, #tpu.memory_space<hbm>>
      %dma_start3A_305 = arith.constant 0 : i32
      %dma_start3A_306 = tpu.memref_slice %arg4[%mul3A_299, %dma_start3A_305] : memref<229376x128xf32, #tpu.memory_space<hbm>> -> memref<50x128xf32, #tpu.memory_space<hbm>>
      %dma_start3A_307 = arith.constant 0 : i32
      %dma_start3A_308 = arith.constant 0 : i32
      %dma_start3A_309 = tpu.memref_slice %arg12[%dma_start3A_307, %dma_start3A_308] : memref<104x128xf32, #tpu.memory_space<vmem>> -> memref<50x128xf32, #tpu.memory_space<vmem>>
      tpu.enqueue_dma source(%dma_start3A_309 : memref<50x128xf32, #tpu.memory_space<vmem>>) target(%dma_start3A_306 : memref<50x128xf32, #tpu.memory_space<hbm>>) target_semaphore(%arg28 : memref<!tpu.dma_semaphore, #tpu.memory_space<semaphore_mem>>)
      %add3A_310 = arith.constant 56 : i32
      %add3A_311 = arith.addi %mul3A_299, %add3A_310 : i32
      %dma_start3A_312 = arith.constant 50 : i32
      %dma_start3A_313 = arith.constant 0 : i32
      %dma_start3A_314 = tpu.memref_slice %arg12[%dma_start3A_312, %dma_start3A_313] : memref<104x128xf32, #tpu.memory_space<vmem>> -> memref<50x128xf32, #tpu.memory_space<vmem>>
      %dma_start3A_315 = arith.constant 0 : i32
      %dma_start3A_316 = tpu.memref_slice %arg4[%add3A_311, %dma_start3A_315] : memref<229376x128xf32, #tpu.memory_space<hbm>> -> memref<50x128xf32, #tpu.memory_space<hbm>>
      %dma_start3A_317 = arith.constant 0 : i32
      %dma_start3A_318 = tpu.memref_slice %arg4[%add3A_311, %dma_start3A_317] : memref<229376x128xf32, #tpu.memory_space<hbm>> -> memref<50x128xf32, #tpu.memory_space<hbm>>
      %dma_start3A_319 = arith.constant 50 : i32
      %dma_start3A_320 = arith.constant 0 : i32
      %dma_start3A_321 = tpu.memref_slice %arg12[%dma_start3A_319, %dma_start3A_320] : memref<104x128xf32, #tpu.memory_space<vmem>> -> memref<50x128xf32, #tpu.memory_space<vmem>>
      tpu.enqueue_dma source(%dma_start3A_321 : memref<50x128xf32, #tpu.memory_space<vmem>>) target(%dma_start3A_318 : memref<50x128xf32, #tpu.memory_space<hbm>>) target_semaphore(%arg36 : memref<!tpu.dma_semaphore, #tpu.memory_space<semaphore_mem>>)
      %dma_wait3A_322 = arith.constant 0 : i32
      %dma_wait3A_323 = tpu.memref_slice %arg5[%add3A_71, %dma_wait3A_322] : memref<64x104xi32, #tpu.memory_space<vmem>> -> memref<1x104xi32, #tpu.memory_space<vmem>>
      %dma_wait3A_324 = tpu.memref_squeeze %dma_wait3A_323 : memref<1x104xi32, #tpu.memory_space<vmem>> -> memref<104xi32, #tpu.memory_space<vmem>>
      %dma_wait3A_325 = arith.constant 0 : i32
      %dma_wait3A_326 = arith.constant 0 : i32
      %dma_wait3A_327 = tpu.memref_slice %arg3[%dma_wait3A_325, %dma_wait3A_326] : memref<90002x128xf32, #tpu.memory_space<hbm>> -> memref<90002x128xf32, #tpu.memory_space<hbm>>
      tpu.wait_indirect_dma semaphore(%arg21 : memref<!tpu.dma_semaphore, #tpu.memory_space<semaphore_mem>>) src(%dma_wait3A_327 : memref<90002x128xf32, #tpu.memory_space<hbm>>) dst(%arg13 : memref<104x128xf32, #tpu.memory_space<vmem>>)
      %add3A_328 = arith.constant 7 : i32
      %add3A_329 = arith.addi %mul3A_14, %add3A_328 : i32
      %mul3A_330 = arith.constant 2 : i32
      %mul3A_331 = arith.muli %mul3A_330, %add3A_329 : i32
      %add3A_332 = arith.addi %mul3A_6, %mul3A_331 : i32
      %mul3A_333 = arith.constant 56 : i32
      %mul3A_334 = arith.muli %add3A_332, %mul3A_333 : i32
      %dma_start3A_335 = arith.constant 0 : i32
      %dma_start3A_336 = arith.constant 0 : i32
      %dma_start3A_337 = tpu.memref_slice %arg13[%dma_start3A_335, %dma_start3A_336] : memref<104x128xf32, #tpu.memory_space<vmem>> -> memref<50x128xf32, #tpu.memory_space<vmem>>
      %dma_start3A_338 = arith.constant 0 : i32
      %dma_start3A_339 = tpu.memref_slice %arg4[%mul3A_334, %dma_start3A_338] : memref<229376x128xf32, #tpu.memory_space<hbm>> -> memref<50x128xf32, #tpu.memory_space<hbm>>
      %dma_start3A_340 = arith.constant 0 : i32
      %dma_start3A_341 = tpu.memref_slice %arg4[%mul3A_334, %dma_start3A_340] : memref<229376x128xf32, #tpu.memory_space<hbm>> -> memref<50x128xf32, #tpu.memory_space<hbm>>
      %dma_start3A_342 = arith.constant 0 : i32
      %dma_start3A_343 = arith.constant 0 : i32
      %dma_start3A_344 = tpu.memref_slice %arg13[%dma_start3A_342, %dma_start3A_343] : memref<104x128xf32, #tpu.memory_space<vmem>> -> memref<50x128xf32, #tpu.memory_space<vmem>>
      tpu.enqueue_dma source(%dma_start3A_344 : memref<50x128xf32, #tpu.memory_space<vmem>>) target(%dma_start3A_341 : memref<50x128xf32, #tpu.memory_space<hbm>>) target_semaphore(%arg29 : memref<!tpu.dma_semaphore, #tpu.memory_space<semaphore_mem>>)
      %add3A_345 = arith.constant 56 : i32
      %add3A_346 = arith.addi %mul3A_334, %add3A_345 : i32
      %dma_start3A_347 = arith.constant 50 : i32
      %dma_start3A_348 = arith.constant 0 : i32
      %dma_start3A_349 = tpu.memref_slice %arg13[%dma_start3A_347, %dma_start3A_348] : memref<104x128xf32, #tpu.memory_space<vmem>> -> memref<50x128xf32, #tpu.memory_space<vmem>>
      %dma_start3A_350 = arith.constant 0 : i32
      %dma_start3A_351 = tpu.memref_slice %arg4[%add3A_346, %dma_start3A_350] : memref<229376x128xf32, #tpu.memory_space<hbm>> -> memref<50x128xf32, #tpu.memory_space<hbm>>
      %dma_start3A_352 = arith.constant 0 : i32
      %dma_start3A_353 = tpu.memref_slice %arg4[%add3A_346, %dma_start3A_352] : memref<229376x128xf32, #tpu.memory_space<hbm>> -> memref<50x128xf32, #tpu.memory_space<hbm>>
      %dma_start3A_354 = arith.constant 50 : i32
      %dma_start3A_355 = arith.constant 0 : i32
      %dma_start3A_356 = tpu.memref_slice %arg13[%dma_start3A_354, %dma_start3A_355] : memref<104x128xf32, #tpu.memory_space<vmem>> -> memref<50x128xf32, #tpu.memory_space<vmem>>
      tpu.enqueue_dma source(%dma_start3A_356 : memref<50x128xf32, #tpu.memory_space<vmem>>) target(%dma_start3A_353 : memref<50x128xf32, #tpu.memory_space<hbm>>) target_semaphore(%arg37 : memref<!tpu.dma_semaphore, #tpu.memory_space<semaphore_mem>>)
      %dma_wait3A_357 = arith.constant 0 : i32
      %dma_wait3A_358 = arith.constant 0 : i32
      %dma_wait3A_359 = tpu.memref_slice %arg6[%dma_wait3A_357, %dma_wait3A_358] : memref<104x128xf32, #tpu.memory_space<vmem>> -> memref<50x128xf32, #tpu.memory_space<vmem>>
      %dma_wait3A_360 = arith.constant 0 : i32
      %dma_wait3A_361 = tpu.memref_slice %arg4[%mul3A_89, %dma_wait3A_360] : memref<229376x128xf32, #tpu.memory_space<hbm>> -> memref<50x128xf32, #tpu.memory_space<hbm>>
      %dma_wait3A_362 = arith.constant 0 : i32
      %dma_wait3A_363 = tpu.memref_slice %arg4[%mul3A_89, %dma_wait3A_362] : memref<229376x128xf32, #tpu.memory_space<hbm>> -> memref<50x128xf32, #tpu.memory_space<hbm>>
      %dma_wait3A_364 = arith.constant 0 : i32
      %dma_wait3A_365 = arith.constant 0 : i32
      %dma_wait3A_366 = tpu.memref_slice %arg6[%dma_wait3A_364, %dma_wait3A_365] : memref<104x128xf32, #tpu.memory_space<vmem>> -> memref<50x128xf32, #tpu.memory_space<vmem>>
      tpu.wait_dma2 semaphore(%arg22 : memref<!tpu.dma_semaphore, #tpu.memory_space<semaphore_mem>>) src(%dma_wait3A_366 : memref<50x128xf32, #tpu.memory_space<vmem>>) dst(%dma_wait3A_363 : memref<50x128xf32, #tpu.memory_space<hbm>>)
      %dma_wait3A_367 = arith.constant 50 : i32
      %dma_wait3A_368 = arith.constant 0 : i32
      %dma_wait3A_369 = tpu.memref_slice %arg6[%dma_wait3A_367, %dma_wait3A_368] : memref<104x128xf32, #tpu.memory_space<vmem>> -> memref<50x128xf32, #tpu.memory_space<vmem>>
      %dma_wait3A_370 = arith.constant 0 : i32
      %dma_wait3A_371 = tpu.memref_slice %arg4[%add3A_101, %dma_wait3A_370] : memref<229376x128xf32, #tpu.memory_space<hbm>> -> memref<50x128xf32, #tpu.memory_space<hbm>>
      %dma_wait3A_372 = arith.constant 0 : i32
      %dma_wait3A_373 = tpu.memref_slice %arg4[%add3A_101, %dma_wait3A_372] : memref<229376x128xf32, #tpu.memory_space<hbm>> -> memref<50x128xf32, #tpu.memory_space<hbm>>
      %dma_wait3A_374 = arith.constant 50 : i32
      %dma_wait3A_375 = arith.constant 0 : i32
      %dma_wait3A_376 = tpu.memref_slice %arg6[%dma_wait3A_374, %dma_wait3A_375] : memref<104x128xf32, #tpu.memory_space<vmem>> -> memref<50x128xf32, #tpu.memory_space<vmem>>
      tpu.wait_dma2 semaphore(%arg30 : memref<!tpu.dma_semaphore, #tpu.memory_space<semaphore_mem>>) src(%dma_wait3A_376 : memref<50x128xf32, #tpu.memory_space<vmem>>) dst(%dma_wait3A_373 : memref<50x128xf32, #tpu.memory_space<hbm>>)
      %dma_wait3A_377 = arith.constant 0 : i32
      %dma_wait3A_378 = arith.constant 0 : i32
      %dma_wait3A_379 = tpu.memref_slice %arg7[%dma_wait3A_377, %dma_wait3A_378] : memref<104x128xf32, #tpu.memory_space<vmem>> -> memref<50x128xf32, #tpu.memory_space<vmem>>
      %dma_wait3A_380 = arith.constant 0 : i32
      %dma_wait3A_381 = tpu.memref_slice %arg4[%mul3A_124, %dma_wait3A_380] : memref<229376x128xf32, #tpu.memory_space<hbm>> -> memref<50x128xf32, #tpu.memory_space<hbm>>
      %dma_wait3A_382 = arith.constant 0 : i32
      %dma_wait3A_383 = tpu.memref_slice %arg4[%mul3A_124, %dma_wait3A_382] : memref<229376x128xf32, #tpu.memory_space<hbm>> -> memref<50x128xf32, #tpu.memory_space<hbm>>
      %dma_wait3A_384 = arith.constant 0 : i32
      %dma_wait3A_385 = arith.constant 0 : i32
      %dma_wait3A_386 = tpu.memref_slice %arg7[%dma_wait3A_384, %dma_wait3A_385] : memref<104x128xf32, #tpu.memory_space<vmem>> -> memref<50x128xf32, #tpu.memory_space<vmem>>
      tpu.wait_dma2 semaphore(%arg23 : memref<!tpu.dma_semaphore, #tpu.memory_space<semaphore_mem>>) src(%dma_wait3A_386 : memref<50x128xf32, #tpu.memory_space<vmem>>) dst(%dma_wait3A_383 : memref<50x128xf32, #tpu.memory_space<hbm>>)
      %dma_wait3A_387 = arith.constant 50 : i32
      %dma_wait3A_388 = arith.constant 0 : i32
      %dma_wait3A_389 = tpu.memref_slice %arg7[%dma_wait3A_387, %dma_wait3A_388] : memref<104x128xf32, #tpu.memory_space<vmem>> -> memref<50x128xf32, #tpu.memory_space<vmem>>
      %dma_wait3A_390 = arith.constant 0 : i32
      %dma_wait3A_391 = tpu.memref_slice %arg4[%add3A_136, %dma_wait3A_390] : memref<229376x128xf32, #tpu.memory_space<hbm>> -> memref<50x128xf32, #tpu.memory_space<hbm>>
      %dma_wait3A_392 = arith.constant 0 : i32
      %dma_wait3A_393 = tpu.memref_slice %arg4[%add3A_136, %dma_wait3A_392] : memref<229376x128xf32, #tpu.memory_space<hbm>> -> memref<50x128xf32, #tpu.memory_space<hbm>>
      %dma_wait3A_394 = arith.constant 50 : i32
      %dma_wait3A_395 = arith.constant 0 : i32
      %dma_wait3A_396 = tpu.memref_slice %arg7[%dma_wait3A_394, %dma_wait3A_395] : memref<104x128xf32, #tpu.memory_space<vmem>> -> memref<50x128xf32, #tpu.memory_space<vmem>>
      tpu.wait_dma2 semaphore(%arg31 : memref<!tpu.dma_semaphore, #tpu.memory_space<semaphore_mem>>) src(%dma_wait3A_396 : memref<50x128xf32, #tpu.memory_space<vmem>>) dst(%dma_wait3A_393 : memref<50x128xf32, #tpu.memory_space<hbm>>)
      %dma_wait3A_397 = arith.constant 0 : i32
      %dma_wait3A_398 = arith.constant 0 : i32
      %dma_wait3A_399 = tpu.memref_slice %arg8[%dma_wait3A_397, %dma_wait3A_398] : memref<104x128xf32, #tpu.memory_space<vmem>> -> memref<50x128xf32, #tpu.memory_space<vmem>>
      %dma_wait3A_400 = arith.constant 0 : i32
      %dma_wait3A_401 = tpu.memref_slice %arg4[%mul3A_159, %dma_wait3A_400] : memref<229376x128xf32, #tpu.memory_space<hbm>> -> memref<50x128xf32, #tpu.memory_space<hbm>>
      %dma_wait3A_402 = arith.constant 0 : i32
      %dma_wait3A_403 = tpu.memref_slice %arg4[%mul3A_159, %dma_wait3A_402] : memref<229376x128xf32, #tpu.memory_space<hbm>> -> memref<50x128xf32, #tpu.memory_space<hbm>>
      %dma_wait3A_404 = arith.constant 0 : i32
      %dma_wait3A_405 = arith.constant 0 : i32
      %dma_wait3A_406 = tpu.memref_slice %arg8[%dma_wait3A_404, %dma_wait3A_405] : memref<104x128xf32, #tpu.memory_space<vmem>> -> memref<50x128xf32, #tpu.memory_space<vmem>>
      tpu.wait_dma2 semaphore(%arg24 : memref<!tpu.dma_semaphore, #tpu.memory_space<semaphore_mem>>) src(%dma_wait3A_406 : memref<50x128xf32, #tpu.memory_space<vmem>>) dst(%dma_wait3A_403 : memref<50x128xf32, #tpu.memory_space<hbm>>)
      %dma_wait3A_407 = arith.constant 50 : i32
      %dma_wait3A_408 = arith.constant 0 : i32
      %dma_wait3A_409 = tpu.memref_slice %arg8[%dma_wait3A_407, %dma_wait3A_408] : memref<104x128xf32, #tpu.memory_space<vmem>> -> memref<50x128xf32, #tpu.memory_space<vmem>>
      %dma_wait3A_410 = arith.constant 0 : i32
      %dma_wait3A_411 = tpu.memref_slice %arg4[%add3A_171, %dma_wait3A_410] : memref<229376x128xf32, #tpu.memory_space<hbm>> -> memref<50x128xf32, #tpu.memory_space<hbm>>
      %dma_wait3A_412 = arith.constant 0 : i32
      %dma_wait3A_413 = tpu.memref_slice %arg4[%add3A_171, %dma_wait3A_412] : memref<229376x128xf32, #tpu.memory_space<hbm>> -> memref<50x128xf32, #tpu.memory_space<hbm>>
      %dma_wait3A_414 = arith.constant 50 : i32
      %dma_wait3A_415 = arith.constant 0 : i32
      %dma_wait3A_416 = tpu.memref_slice %arg8[%dma_wait3A_414, %dma_wait3A_415] : memref<104x128xf32, #tpu.memory_space<vmem>> -> memref<50x128xf32, #tpu.memory_space<vmem>>
      tpu.wait_dma2 semaphore(%arg32 : memref<!tpu.dma_semaphore, #tpu.memory_space<semaphore_mem>>) src(%dma_wait3A_416 : memref<50x128xf32, #tpu.memory_space<vmem>>) dst(%dma_wait3A_413 : memref<50x128xf32, #tpu.memory_space<hbm>>)
      %dma_wait3A_417 = arith.constant 0 : i32
      %dma_wait3A_418 = arith.constant 0 : i32
      %dma_wait3A_419 = tpu.memref_slice %arg9[%dma_wait3A_417, %dma_wait3A_418] : memref<104x128xf32, #tpu.memory_space<vmem>> -> memref<50x128xf32, #tpu.memory_space<vmem>>
      %dma_wait3A_420 = arith.constant 0 : i32
      %dma_wait3A_421 = tpu.memref_slice %arg4[%mul3A_194, %dma_wait3A_420] : memref<229376x128xf32, #tpu.memory_space<hbm>> -> memref<50x128xf32, #tpu.memory_space<hbm>>
      %dma_wait3A_422 = arith.constant 0 : i32
      %dma_wait3A_423 = tpu.memref_slice %arg4[%mul3A_194, %dma_wait3A_422] : memref<229376x128xf32, #tpu.memory_space<hbm>> -> memref<50x128xf32, #tpu.memory_space<hbm>>
      %dma_wait3A_424 = arith.constant 0 : i32
      %dma_wait3A_425 = arith.constant 0 : i32
      %dma_wait3A_426 = tpu.memref_slice %arg9[%dma_wait3A_424, %dma_wait3A_425] : memref<104x128xf32, #tpu.memory_space<vmem>> -> memref<50x128xf32, #tpu.memory_space<vmem>>
      tpu.wait_dma2 semaphore(%arg25 : memref<!tpu.dma_semaphore, #tpu.memory_space<semaphore_mem>>) src(%dma_wait3A_426 : memref<50x128xf32, #tpu.memory_space<vmem>>) dst(%dma_wait3A_423 : memref<50x128xf32, #tpu.memory_space<hbm>>)
      %dma_wait3A_427 = arith.constant 50 : i32
      %dma_wait3A_428 = arith.constant 0 : i32
      %dma_wait3A_429 = tpu.memref_slice %arg9[%dma_wait3A_427, %dma_wait3A_428] : memref<104x128xf32, #tpu.memory_space<vmem>> -> memref<50x128xf32, #tpu.memory_space<vmem>>
      %dma_wait3A_430 = arith.constant 0 : i32
      %dma_wait3A_431 = tpu.memref_slice %arg4[%add3A_206, %dma_wait3A_430] : memref<229376x128xf32, #tpu.memory_space<hbm>> -> memref<50x128xf32, #tpu.memory_space<hbm>>
      %dma_wait3A_432 = arith.constant 0 : i32
      %dma_wait3A_433 = tpu.memref_slice %arg4[%add3A_206, %dma_wait3A_432] : memref<229376x128xf32, #tpu.memory_space<hbm>> -> memref<50x128xf32, #tpu.memory_space<hbm>>
      %dma_wait3A_434 = arith.constant 50 : i32
      %dma_wait3A_435 = arith.constant 0 : i32
      %dma_wait3A_436 = tpu.memref_slice %arg9[%dma_wait3A_434, %dma_wait3A_435] : memref<104x128xf32, #tpu.memory_space<vmem>> -> memref<50x128xf32, #tpu.memory_space<vmem>>
      tpu.wait_dma2 semaphore(%arg33 : memref<!tpu.dma_semaphore, #tpu.memory_space<semaphore_mem>>) src(%dma_wait3A_436 : memref<50x128xf32, #tpu.memory_space<vmem>>) dst(%dma_wait3A_433 : memref<50x128xf32, #tpu.memory_space<hbm>>)
      %dma_wait3A_437 = arith.constant 0 : i32
      %dma_wait3A_438 = arith.constant 0 : i32
      %dma_wait3A_439 = tpu.memref_slice %arg10[%dma_wait3A_437, %dma_wait3A_438] : memref<104x128xf32, #tpu.memory_space<vmem>> -> memref<50x128xf32, #tpu.memory_space<vmem>>
      %dma_wait3A_440 = arith.constant 0 : i32
      %dma_wait3A_441 = tpu.memref_slice %arg4[%mul3A_229, %dma_wait3A_440] : memref<229376x128xf32, #tpu.memory_space<hbm>> -> memref<50x128xf32, #tpu.memory_space<hbm>>
      %dma_wait3A_442 = arith.constant 0 : i32
      %dma_wait3A_443 = tpu.memref_slice %arg4[%mul3A_229, %dma_wait3A_442] : memref<229376x128xf32, #tpu.memory_space<hbm>> -> memref<50x128xf32, #tpu.memory_space<hbm>>
      %dma_wait3A_444 = arith.constant 0 : i32
      %dma_wait3A_445 = arith.constant 0 : i32
      %dma_wait3A_446 = tpu.memref_slice %arg10[%dma_wait3A_444, %dma_wait3A_445] : memref<104x128xf32, #tpu.memory_space<vmem>> -> memref<50x128xf32, #tpu.memory_space<vmem>>
      tpu.wait_dma2 semaphore(%arg26 : memref<!tpu.dma_semaphore, #tpu.memory_space<semaphore_mem>>) src(%dma_wait3A_446 : memref<50x128xf32, #tpu.memory_space<vmem>>) dst(%dma_wait3A_443 : memref<50x128xf32, #tpu.memory_space<hbm>>)
      %dma_wait3A_447 = arith.constant 50 : i32
      %dma_wait3A_448 = arith.constant 0 : i32
      %dma_wait3A_449 = tpu.memref_slice %arg10[%dma_wait3A_447, %dma_wait3A_448] : memref<104x128xf32, #tpu.memory_space<vmem>> -> memref<50x128xf32, #tpu.memory_space<vmem>>
      %dma_wait3A_450 = arith.constant 0 : i32
      %dma_wait3A_451 = tpu.memref_slice %arg4[%add3A_241, %dma_wait3A_450] : memref<229376x128xf32, #tpu.memory_space<hbm>> -> memref<50x128xf32, #tpu.memory_space<hbm>>
      %dma_wait3A_452 = arith.constant 0 : i32
      %dma_wait3A_453 = tpu.memref_slice %arg4[%add3A_241, %dma_wait3A_452] : memref<229376x128xf32, #tpu.memory_space<hbm>> -> memref<50x128xf32, #tpu.memory_space<hbm>>
      %dma_wait3A_454 = arith.constant 50 : i32
      %dma_wait3A_455 = arith.constant 0 : i32
      %dma_wait3A_456 = tpu.memref_slice %arg10[%dma_wait3A_454, %dma_wait3A_455] : memref<104x128xf32, #tpu.memory_space<vmem>> -> memref<50x128xf32, #tpu.memory_space<vmem>>
      tpu.wait_dma2 semaphore(%arg34 : memref<!tpu.dma_semaphore, #tpu.memory_space<semaphore_mem>>) src(%dma_wait3A_456 : memref<50x128xf32, #tpu.memory_space<vmem>>) dst(%dma_wait3A_453 : memref<50x128xf32, #tpu.memory_space<hbm>>)
      %dma_wait3A_457 = arith.constant 0 : i32
      %dma_wait3A_458 = arith.constant 0 : i32
      %dma_wait3A_459 = tpu.memref_slice %arg11[%dma_wait3A_457, %dma_wait3A_458] : memref<104x128xf32, #tpu.memory_space<vmem>> -> memref<50x128xf32, #tpu.memory_space<vmem>>
      %dma_wait3A_460 = arith.constant 0 : i32
      %dma_wait3A_461 = tpu.memref_slice %arg4[%mul3A_264, %dma_wait3A_460] : memref<229376x128xf32, #tpu.memory_space<hbm>> -> memref<50x128xf32, #tpu.memory_space<hbm>>
      %dma_wait3A_462 = arith.constant 0 : i32
      %dma_wait3A_463 = tpu.memref_slice %arg4[%mul3A_264, %dma_wait3A_462] : memref<229376x128xf32, #tpu.memory_space<hbm>> -> memref<50x128xf32, #tpu.memory_space<hbm>>
      %dma_wait3A_464 = arith.constant 0 : i32
      %dma_wait3A_465 = arith.constant 0 : i32
      %dma_wait3A_466 = tpu.memref_slice %arg11[%dma_wait3A_464, %dma_wait3A_465] : memref<104x128xf32, #tpu.memory_space<vmem>> -> memref<50x128xf32, #tpu.memory_space<vmem>>
      tpu.wait_dma2 semaphore(%arg27 : memref<!tpu.dma_semaphore, #tpu.memory_space<semaphore_mem>>) src(%dma_wait3A_466 : memref<50x128xf32, #tpu.memory_space<vmem>>) dst(%dma_wait3A_463 : memref<50x128xf32, #tpu.memory_space<hbm>>)
      %dma_wait3A_467 = arith.constant 50 : i32
      %dma_wait3A_468 = arith.constant 0 : i32
      %dma_wait3A_469 = tpu.memref_slice %arg11[%dma_wait3A_467, %dma_wait3A_468] : memref<104x128xf32, #tpu.memory_space<vmem>> -> memref<50x128xf32, #tpu.memory_space<vmem>>
      %dma_wait3A_470 = arith.constant 0 : i32
      %dma_wait3A_471 = tpu.memref_slice %arg4[%add3A_276, %dma_wait3A_470] : memref<229376x128xf32, #tpu.memory_space<hbm>> -> memref<50x128xf32, #tpu.memory_space<hbm>>
      %dma_wait3A_472 = arith.constant 0 : i32
      %dma_wait3A_473 = tpu.memref_slice %arg4[%add3A_276, %dma_wait3A_472] : memref<229376x128xf32, #tpu.memory_space<hbm>> -> memref<50x128xf32, #tpu.memory_space<hbm>>
      %dma_wait3A_474 = arith.constant 50 : i32
      %dma_wait3A_475 = arith.constant 0 : i32
      %dma_wait3A_476 = tpu.memref_slice %arg11[%dma_wait3A_474, %dma_wait3A_475] : memref<104x128xf32, #tpu.memory_space<vmem>> -> memref<50x128xf32, #tpu.memory_space<vmem>>
      tpu.wait_dma2 semaphore(%arg35 : memref<!tpu.dma_semaphore, #tpu.memory_space<semaphore_mem>>) src(%dma_wait3A_476 : memref<50x128xf32, #tpu.memory_space<vmem>>) dst(%dma_wait3A_473 : memref<50x128xf32, #tpu.memory_space<hbm>>)
      %dma_wait3A_477 = arith.constant 0 : i32
      %dma_wait3A_478 = arith.constant 0 : i32
      %dma_wait3A_479 = tpu.memref_slice %arg12[%dma_wait3A_477, %dma_wait3A_478] : memref<104x128xf32, #tpu.memory_space<vmem>> -> memref<50x128xf32, #tpu.memory_space<vmem>>
      %dma_wait3A_480 = arith.constant 0 : i32
      %dma_wait3A_481 = tpu.memref_slice %arg4[%mul3A_299, %dma_wait3A_480] : memref<229376x128xf32, #tpu.memory_space<hbm>> -> memref<50x128xf32, #tpu.memory_space<hbm>>
      %dma_wait3A_482 = arith.constant 0 : i32
      %dma_wait3A_483 = tpu.memref_slice %arg4[%mul3A_299, %dma_wait3A_482] : memref<229376x128xf32, #tpu.memory_space<hbm>> -> memref<50x128xf32, #tpu.memory_space<hbm>>
      %dma_wait3A_484 = arith.constant 0 : i32
      %dma_wait3A_485 = arith.constant 0 : i32
      %dma_wait3A_486 = tpu.memref_slice %arg12[%dma_wait3A_484, %dma_wait3A_485] : memref<104x128xf32, #tpu.memory_space<vmem>> -> memref<50x128xf32, #tpu.memory_space<vmem>>
      tpu.wait_dma2 semaphore(%arg28 : memref<!tpu.dma_semaphore, #tpu.memory_space<semaphore_mem>>) src(%dma_wait3A_486 : memref<50x128xf32, #tpu.memory_space<vmem>>) dst(%dma_wait3A_483 : memref<50x128xf32, #tpu.memory_space<hbm>>)
      %dma_wait3A_487 = arith.constant 50 : i32
      %dma_wait3A_488 = arith.constant 0 : i32
      %dma_wait3A_489 = tpu.memref_slice %arg12[%dma_wait3A_487, %dma_wait3A_488] : memref<104x128xf32, #tpu.memory_space<vmem>> -> memref<50x128xf32, #tpu.memory_space<vmem>>
      %dma_wait3A_490 = arith.constant 0 : i32
      %dma_wait3A_491 = tpu.memref_slice %arg4[%add3A_311, %dma_wait3A_490] : memref<229376x128xf32, #tpu.memory_space<hbm>> -> memref<50x128xf32, #tpu.memory_space<hbm>>
      %dma_wait3A_492 = arith.constant 0 : i32
      %dma_wait3A_493 = tpu.memref_slice %arg4[%add3A_311, %dma_wait3A_492] : memref<229376x128xf32, #tpu.memory_space<hbm>> -> memref<50x128xf32, #tpu.memory_space<hbm>>
      %dma_wait3A_494 = arith.constant 50 : i32
      %dma_wait3A_495 = arith.constant 0 : i32
      %dma_wait3A_496 = tpu.memref_slice %arg12[%dma_wait3A_494, %dma_wait3A_495] : memref<104x128xf32, #tpu.memory_space<vmem>> -> memref<50x128xf32, #tpu.memory_space<vmem>>
      tpu.wait_dma2 semaphore(%arg36 : memref<!tpu.dma_semaphore, #tpu.memory_space<semaphore_mem>>) src(%dma_wait3A_496 : memref<50x128xf32, #tpu.memory_space<vmem>>) dst(%dma_wait3A_493 : memref<50x128xf32, #tpu.memory_space<hbm>>)
      %dma_wait3A_497 = arith.constant 0 : i32
      %dma_wait3A_498 = arith.constant 0 : i32
      %dma_wait3A_499 = tpu.memref_slice %arg13[%dma_wait3A_497, %dma_wait3A_498] : memref<104x128xf32, #tpu.memory_space<vmem>> -> memref<50x128xf32, #tpu.memory_space<vmem>>
      %dma_wait3A_500 = arith.constant 0 : i32
      %dma_wait3A_501 = tpu.memref_slice %arg4[%mul3A_334, %dma_wait3A_500] : memref<229376x128xf32, #tpu.memory_space<hbm>> -> memref<50x128xf32, #tpu.memory_space<hbm>>
      %dma_wait3A_502 = arith.constant 0 : i32
      %dma_wait3A_503 = tpu.memref_slice %arg4[%mul3A_334, %dma_wait3A_502] : memref<229376x128xf32, #tpu.memory_space<hbm>> -> memref<50x128xf32, #tpu.memory_space<hbm>>
      %dma_wait3A_504 = arith.constant 0 : i32
      %dma_wait3A_505 = arith.constant 0 : i32
      %dma_wait3A_506 = tpu.memref_slice %arg13[%dma_wait3A_504, %dma_wait3A_505] : memref<104x128xf32, #tpu.memory_space<vmem>> -> memref<50x128xf32, #tpu.memory_space<vmem>>
      tpu.wait_dma2 semaphore(%arg29 : memref<!tpu.dma_semaphore, #tpu.memory_space<semaphore_mem>>) src(%dma_wait3A_506 : memref<50x128xf32, #tpu.memory_space<vmem>>) dst(%dma_wait3A_503 : memref<50x128xf32, #tpu.memory_space<hbm>>)
      %dma_wait3A_507 = arith.constant 50 : i32
      %dma_wait3A_508 = arith.constant 0 : i32
      %dma_wait3A_509 = tpu.memref_slice %arg13[%dma_wait3A_507, %dma_wait3A_508] : memref<104x128xf32, #tpu.memory_space<vmem>> -> memref<50x128xf32, #tpu.memory_space<vmem>>
      %dma_wait3A_510 = arith.constant 0 : i32
      %dma_wait3A_511 = tpu.memref_slice %arg4[%add3A_346, %dma_wait3A_510] : memref<229376x128xf32, #tpu.memory_space<hbm>> -> memref<50x128xf32, #tpu.memory_space<hbm>>
      %dma_wait3A_512 = arith.constant 0 : i32
      %dma_wait3A_513 = tpu.memref_slice %arg4[%add3A_346, %dma_wait3A_512] : memref<229376x128xf32, #tpu.memory_space<hbm>> -> memref<50x128xf32, #tpu.memory_space<hbm>>
      %dma_wait3A_514 = arith.constant 50 : i32
      %dma_wait3A_515 = arith.constant 0 : i32
      %dma_wait3A_516 = tpu.memref_slice %arg13[%dma_wait3A_514, %dma_wait3A_515] : memref<104x128xf32, #tpu.memory_space<vmem>> -> memref<50x128xf32, #tpu.memory_space<vmem>>
      tpu.wait_dma2 semaphore(%arg37 : memref<!tpu.dma_semaphore, #tpu.memory_space<semaphore_mem>>) src(%dma_wait3A_516 : memref<50x128xf32, #tpu.memory_space<vmem>>) dst(%dma_wait3A_513 : memref<50x128xf32, #tpu.memory_space<hbm>>)
    }
    %scan3A_11 = arith.constant 8 : i32
    return
  }
}

module attributes {stable_mosaic.version = 14 : i64} {
  func.func @_tr_body(%arg0: i32, %arg1: memref<100x16384xf32, #tpu.memory_space<vmem>>, %arg2: memref<16384x128xf32, #tpu.memory_space<vmem>>) attributes {dimension_semantics = [#tpu.dimension_semantics<arbitrary>], iteration_bounds = array<i64: 6>, scalar_prefetch = 0 : i64, scratch_operands = 0 : i64, tpu.core_type = #tpu.core_type<tc>, window_params = [{transform_indices = @transform_0, window_bounds = array<i64: 100, 16384>}, {transform_indices = @transform_1, window_bounds = array<i64: 16384, 128>}]} {
    %get3A = arith.constant 0 : index
    %get3A_0 = arith.constant 0 : index
    %get3A_1 = vector.load %arg1[%get3A, %get3A_0] : memref<100x16384xf32, #tpu.memory_space<vmem>>, vector<100x16384xf32>
    %transpose3A = tpu.transpose %get3A_1, [1, 0] : vector<100x16384xf32> -> vector<16384x100xf32>
    %swap3A = arith.constant 0 : index
    %swap3A_2 = arith.constant 0 : index
    %swap3A_3 = vector.load %arg2[%swap3A, %swap3A_2] : memref<16384x128xf32, #tpu.memory_space<vmem>>, vector<16384x100xf32>
    tpu.vector_store %arg2[%swap3A, %swap3A_2], %transpose3A {strides = array<i32>} : memref<16384x128xf32, #tpu.memory_space<vmem>>, vector<16384x100xf32>,
    %broadcast_in_dim3A = arith.constant 0.000000e+00 : f32
    %broadcast_in_dim3A_4 = vector.broadcast %broadcast_in_dim3A : f32 to vector<16384x28xf32>
    %swap3A_5 = arith.constant 0 : index
    %swap3A_6 = arith.constant 100 : index
    %swap3A_7 = vector.load %arg2[%swap3A_5, %swap3A_6] : memref<16384x128xf32, #tpu.memory_space<vmem>>, vector<16384x28xf32>
    tpu.vector_store %arg2[%swap3A_5, %swap3A_6], %broadcast_in_dim3A_4 {strides = array<i32>} : memref<16384x128xf32, #tpu.memory_space<vmem>>, vector<16384x28xf32>,
    return
  }
  func.func @transform_0(%arg0: i32) -> (i32, i32) {
    %c0_i32 = arith.constant 0 : i32
    %c0_i32_0 = arith.constant 0 : i32
    return %c0_i32, %arg0 : i32, i32
  }
  func.func @transform_1(%arg0: i32) -> (i32, i32) {
    %c0_i32 = arith.constant 0 : i32
    %c0_i32_0 = arith.constant 0 : i32
    return %arg0, %c0_i32 : i32, i32
  }
}

module attributes {stable_mosaic.version = 14 : i64} {
  func.func @_len_body(%arg0: memref<4096x50xi32, #tpu.memory_space<vmem>>, %arg1: memref<4096x1xf32, #tpu.memory_space<vmem>>) attributes {dimension_semantics = [], scalar_prefetch = 0 : i64, scratch_operands = 0 : i64, tpu.core_type = #tpu.core_type<tc>} {
    %get3A = arith.constant 0 : index
    %get3A_0 = arith.constant 0 : index
    %get3A_1 = vector.load %arg0[%get3A, %get3A_0] : memref<4096x50xi32, #tpu.memory_space<vmem>>, vector<4096x50xi32>
    %ne3A = arith.constant 0 : i32
    %ne3A_2 = vector.broadcast %ne3A : i32 to vector<4096x50xi32>
    %ne3A_3 = arith.cmpi ne, %get3A_1, %ne3A_2 : vector<4096x50xi32>
    %convert_element_type3A = arith.extui %ne3A_3 : vector<4096x50xi1> to vector<4096x50xi32>
    %convert_element_type3A_4 = arith.sitofp %convert_element_type3A : vector<4096x50xi32> to vector<4096x50xf32>
    %reduce_sum3A = arith.constant dense<0.000000e+00> : vector<4096xf32>
    %reduce_sum3A_5 = vector.multi_reduction <add>, %convert_element_type3A_4, %reduce_sum3A [1] : vector<4096x50xf32> to vector<4096xf32>
    %broadcast_in_dim3A = vector.shape_cast %reduce_sum3A_5 : vector<4096xf32> to vector<4096x1xf32>
    %max3A = arith.constant 1.000000e+00 : f32
    %max3A_6 = vector.broadcast %max3A : f32 to vector<4096x1xf32>
    %max3A_7 = arith.maximumf %broadcast_in_dim3A, %max3A_6 : vector<4096x1xf32>
    %swap3A = arith.constant 0 : index
    %swap3A_8 = arith.constant 0 : index
    %swap3A_9 = vector.load %arg1[%swap3A, %swap3A_8] : memref<4096x1xf32, #tpu.memory_space<vmem>>, vector<4096x1xf32>
    tpu.vector_store %arg1[%swap3A, %swap3A_8], %max3A_7 {strides = array<i32>} : memref<4096x1xf32, #tpu.memory_space<vmem>>, vector<4096x1xf32>,
    return
  }
}

</mosaic_0001>

<sc_bundles>
// kernel: kernel.5.cloned.1.call-start
scs
__scs_entry_jumppad:
0x0: {  	(pc) =	sbr.rel $0x88, $3  }
0x1: {  	(tag) =	ssettag $0x0;
	lr =	simm.s32 $0x1  }
0x2: {  	[smem:$0x3F9F] =	sst lr;
	_ =	strace $0xD0000000  }
0x3: {  	_ = 	snop  }
0x4: {  	_ = 	snop  }
0x5: {  	_ = 	snop  }
0x6: {  	_ = 	snop  }
0x7: {  	_ = 	snop  }
__scs_overlays_trampoline_lowered:
0x8: {  	[smem:$0x3FAE] =	sst s0  }
0x9: {  	[smem:$0x3FAF] =	sst s1  }
0xa: {  	[smem:$0x3FB0] =	sst s2  }
0xb: {  	[smem:$0x3FB1] =	sst s3  }
0xc: {  	[smem:$0x3FB2] =	sst s4  }
0xd: {  	[smem:$0x3FB3] =	sst s5  }
0xe: {  	[smem:$0x3FB4] =	sst s6  }
0xf: {  	[smem:$0x3FB5] =	sst s7  }
0x10: {  	[smem:$0x3FB6] =	sst s8  }
0x11: {  	[smem:$0x3FB7] =	sst s9;
	s0 =	simm.s32 @!p0 $0x0  }
0x12: {  	s1 =	sld [smem:$0x3F9D];
	s0 =	simm.s32 @p0 $0x1  }
0x13: {  	[smem:$0x3FB8] =	sst s0;
	s0 =	simm.s32 @!p1 $0x0  }
0x14: {  	s2 =	sld [smem:$0x3F9C];
	s0 =	simm.s32 @p1 $0x1  }
0x15: {  	[smem:$0x3FB9] =	sst s0;
	s0 =	simm.s32 @!p2 $0x0  }
0x16: {  	s3 =	sld [smem:$0x3FDB];
	s0 =	simm.s32 @p2 $0x1  }
0x17: {  	s4 =	simm.s32 $0x1BF5;
	[smem:$0x3FBB] =	sst s0  }
0x18: {  	s0 =	sld [smem:$0x3F9E];
	_ =	swait.ge [sflag:s4], $0x0  }
0x19: {  	s7 =	sld [smem:$0x3F9F]  }
0x1a: {  	s8 =	sadd.s32 $0xFFFFE003, lr  }
0x1b: {  	s9 =	sadd.s32 $0xFFFFFEF7, lr;
	s5 =	simm.s32 $0xFFFFFFFF;
	p2 =	slt.u32 s8, $0xFFFFF086  }
0x1c: {  	p1 =	slt.u32 s9, $0xF7A;
	s5 =	simm.s32 @!p2 $0x0  }
0x1d: {  	s5 =	simm.s32 @p1 $0x1;
	p0 =	seq.s32 s7, s2  }
0x1e: {  	s7 =	smul.u32 @!p0 $0xF7A, s2;
	p2 =	seq.s32 @!p0 s5, $0x0  }
0x1f: {  	s9 =	smul.u32 $0xF7A, s1;
	s8 =	simm.s32 @!p0 $0x1BF5;
	p2 =	por !p2, p0  }
0x20: {  	[sflag:s8] =	ssyncset.s32 @!p0 $0xFFFFF086;
	s6 =	sadd.s32 @!p0 s3, s7;
	s7 =	simm.s32 @!p0 $0x108  }
0x21: {  	s3 =	sadd.s32 s3, s9;
	s6 =	sadd.s32 @!p0 $0x88, s6;
	s7 =	simm.s32 @p2 $0x1082  }
0x22: {  	[simem:s7], [sflag:s8] =	dma.local @!p0 [hbm:s6], $0xF7A  }
0x23: {  	s9 =	sor.u32 $0xD0000000, s2;
	s6 =	simm.s32 $0x108;
	_ =	swait.ge @!p0 [sflag:s8], $0x0  }
0x24: {  	s3 =	sadd.s32 $0x88, s3;
	s6 =	simm.s32 @!p1 $0x1082;
	[sflag:s4] =	ssyncset.s32 $0xFFFFF086  }
0x25: {  	[simem:s6], [sflag:s4] =	dma.local [hbm:s3], $0xF7A  }
0x26: {  	[smem:$0x3F9F] =	sst s1;
	(tag) =	ssettag s2;
	_ =	strace s9  }
0x27: {  	s1 =	sld [smem:$0x3FAF]  }
0x28: {  	s2 =	sld [smem:$0x3FB0]  }
0x29: {  	s4 =	sld [smem:$0x3FB2]  }
0x2a: {  	p0 =	seq.s32 s5, $0x0;
	s5 =	sld [smem:$0x3FB3]  }
0x2b: {  	s6 =	sld [smem:$0x3FB4]  }
0x2c: {  	s7 =	sld [smem:$0x3FB5]  }
0x2d: {  	s3 =	simm.s32 $0x108;
	s8 =	sld [smem:$0x3FB6]  }
0x2e: {  	s3 =	simm.s32 @!p0 $0x1082;
	s9 =	sld [smem:$0x3FB7]  }
0x2f: {  	lr =	sadd.s32 s0, s3;
	s0 =	sld [smem:$0x3FAE]  }
0x30: {  	s3 =	sld [smem:$0x3FB1]  }
0x31: {  	[smem:$0x3FBA] =	sst s10  }
0x32: {  	s10 =	sld [smem:$0x3FB8];
	_ =	sdelay $0x3  }
0x33: {  	p0 =	seq.s32 s10, $0x1;
	s10 =	sld [smem:$0x3FBA];
	_ =	sdelay $0x3  }
0x34: {  	[smem:$0x3FBA] =	sst s10  }
0x35: {  	s10 =	sld [smem:$0x3FB9];
	_ =	sdelay $0x3  }
0x36: {  	p1 =	seq.s32 s10, $0x1;
	s10 =	sld [smem:$0x3FBA];
	_ =	sdelay $0x3  }
0x37: {  	[smem:$0x3FBA] =	sst s10  }
0x38: {  	s10 =	sld [smem:$0x3FBB]  }
0x39: {  	_ = 	snop;
	(pc) =	sbr.ind lr, $3  }
0x3a: {  	_ = 	snop  }
0x3b: {  	_ = 	snop  }
0x3c: {  	p2 =	seq.s32 s10, $0x1;
	s10 =	sld [smem:$0x3FBA]  }
0x3d: {  	_ =	shalt  }
0x3e: {  	_ =	shalt  }
0x3f: {  	_ =	shalt  }
0x40: {  	_ =	shalt  }
0x41: {  	_ =	shalt  }
0x42: {  	_ =	shalt  }
0x43: {  	_ =	shalt  }
0x44: {  	_ =	shalt  }
0x45: {  	_ =	shalt  }
0x46: {  	_ =	shalt  }
0x47: {  	_ =	shalt  }
0x48: {  	_ =	shalt  }
0x49: {  	_ =	shalt  }
0x4a: {  	_ =	shalt  }
0x4b: {  	_ =	shalt  }
0x4c: {  	_ =	shalt  }
0x4d: {  	_ =	shalt  }
0x4e: {  	_ =	shalt  }
0x4f: {  	_ =	shalt  }
0x50: {  	_ =	shalt  }
0x51: {  	_ =	shalt  }
0x52: {  	_ =	shalt  }
0x53: {  	_ =	shalt  }
0x54: {  	_ =	shalt  }
0x55: {  	_ =	shalt  }
0x56: {  	_ =	shalt  }
0x57: {  	_ =	shalt  }
0x58: {  	_ =	shalt  }
0x59: {  	_ =	shalt  }
0x5a: {  	_ =	shalt  }
0x5b: {  	_ =	shalt  }
0x5c: {  	_ =	shalt  }
0x5d: {  	_ =	shalt  }
0x5e: {  	_ =	shalt  }
0x5f: {  	_ =	shalt  }
0x60: {  	_ =	shalt  }
0x61: {  	_ =	shalt  }
0x62: {  	_ =	shalt  }
0x63: {  	_ =	shalt  }
0x64: {  	_ =	shalt  }
0x65: {  	_ =	shalt  }
0x66: {  	_ =	shalt  }
0x67: {  	_ =	shalt  }
0x68: {  	_ =	shalt  }
0x69: {  	_ =	shalt  }
0x6a: {  	_ =	shalt  }
0x6b: {  	_ =	shalt  }
0x6c: {  	_ =	shalt  }
0x6d: {  	_ =	shalt  }
0x6e: {  	_ =	shalt  }
0x6f: {  	_ =	shalt  }
0x70: {  	_ =	shalt  }
0x71: {  	_ =	shalt  }
0x72: {  	_ =	shalt  }
0x73: {  	_ =	shalt  }
0x74: {  	_ =	shalt  }
0x75: {  	_ =	shalt  }
0x76: {  	_ =	shalt  }
0x77: {  	_ =	shalt  }
0x78: {  	_ =	shalt  }
0x79: {  	_ =	shalt  }
0x7a: {  	_ =	shalt  }
0x7b: {  	_ =	shalt  }
0x7c: {  	_ =	shalt  }
0x7d: {  	_ =	shalt  }
0x7e: {  	_ =	shalt  }
0x7f: {  	_ =	shalt  }
0x80: {  	_ =	shalt  }
0x81: {  	_ =	shalt  }
0x82: {  	_ =	shalt  }
0x83: {  	_ =	shalt  }
0x84: {  	_ =	shalt  }
0x85: {  	_ =	shalt  }
0x86: {  	_ =	shalt  }
0x87: {  	_ =	shalt  }
.Lfunc_end0:
.L_simem_size_0:
called_computation.1_lowered:
.L_overlay_start_0:
0x88: {  	s2 =	sld [smem:$0x3FD9]  }
0x89: {  	s3 =	sld [smem:$0x3FFE];
	_ =	sdelay $0x1  }
0x8a: {  	s1 =	srdreg.scid  }
0x8b: {  	s0 =	sand.u32 $0x1, s1  }
0x8c: {  	s14 =	sshll.u32 s0, $0xA;
	s2 =	sadd.s32 s3, s2  }
0x8d: {  	s2 =	sadd.s32 s2, s14  }
0x8e: {  	[smem:$0x3FC6] =	sst s2  }
0x8f: {  	_ = 	snop  }
0x90: {  	s2 =	sld [smem:$0x3FD0];
	_ =	sdelay $0x2  }
0x91: {  	s15 =	simm.s32 $0xA;
	s4 =	simm.s32 $0x10  }
0x92: {  	[smem:s4], [sflag:s15] =	dma.local [hbm:s2], $0x1  }
0x93: {  	_ =	swait.eq [sflag:s15], $0x1  }
0x94: {  	[sflag:s15] =	ssyncset.done $0x0  }
0x95: {  	[sflag:s15] =	ssyncadd.s32 $0xFFFFFFFF  }
0x96: {  	s16 =	sld [smem:$0x10];
	(tm) =	ssettm $0x1  }
0x97: {  	s17 =	sld [smem:$0x3FFB];
	_ =	sdelay $0x3  }
0x98: {  	_ =	strace s17  }
0x99: {  	s3 =	sld [smem:$0x3FFC];
	_ =	sdelay $0x3  }
0x9a: {  	_ =	strace s3  }
0x9b: {  	s3 =	sld [smem:$0x3FFD];
	_ =	sdelay $0x3  }
0x9c: {  	_ =	strace s3  }
0x9d: {  	_ =	strace $0x8FFFFFFF  }
0x9e: {  	s18 =	sld [smem:$0x3FDB];
	_ =	sdelay $0x1  }
0x9f: {  	s19 =	simm.s32 $_scs_section_size  }
0xa0: {  	s5 =	simm.s32 $_size__tile_overlayer_lowered;
	s6 =	simm.s32 $_tile_overlayer_lowered  }
0xa1: {  	s22 =	simm.s32 $0x1BFF;
	s21 =	sshll.u32 s6, $0x1;
	s3 =	sadd.s32 s19, s18  }
0xa2: {  	s7 =	simm.s32 $0x0;
	s20 =	sshll.u32 s5, $0x1;
	s5 =	sadd.s32 s21, s3  }
0xa3: {  	[timem:s7], [sflag:s22] =	dma.local [hbm:s5], s20  }
0xa4: {  	_ =	swait.ge [sflag:s22], s20  }
0xa5: {  	s4 =	ssub.s32 $0x0, s20;
	[sflag:s22] =	ssyncset.done $0x0  }
0xa6: {  	[sflag:s22] =	ssyncadd.s32 s4;
	_ =	sdelay $0x1  }
0xa7: {  	s23 =	simm.s32 $0x1B8B  }
0xa8: {  	_ =	swait.ge [sflag:s23], $0x1  }
0xa9: {  	[sflag:s23] =	ssyncset.done $0x0  }
0xaa: {  	s25 =	simm.s32 $0x1B8E;
	s24 =	sld [smem:$0x3FFE];
	[sflag:s23] =	ssyncadd.s32 $0xFFFFFFFF  }
0xab: {  	s26 =	simm.s32 $execute0_lowered;
	[smem:$0x3FD2] =	sst s25  }
0xac: {  	s5 =	sshll.u32 s26, $0x1;
	_ =	strace $0x80000046;
	[dreg:$0x1] =	wrdreg $0xFFFFFFFF  }
0xad: {  	s28 =	simm.s32 $_size_execute0_lowered;
	s3 =	sadd.s32 s3, s5;
	[dreg:$0x0] =	wrdreg $0x0  }
0xae: {  	s5 =	sshll.u32 s28, $0x1;
	[dreg:$0x2] =	wrdreg s3  }
0xaf: {  	[dreg:$0x3] =	wrdreg s5  }
0xb0: {  	[dreg:$0x4] =	wrdreg $0xC0  }
0xb1: {  	_ =	task [dreg:s7], $0x5FFFF  }
0xb2: {  	[dreg:$0x1] =	wrdreg $0xFFFFFFFF  }
0xb3: {  	[dreg:$0x0] =	wrdreg $0x60  }
0xb4: {  	[dreg:$0x2] =	wrdreg s24  }
0xb5: {  	[dreg:$0x3] =	wrdreg s16  }
0xb6: {  	[dreg:$0x4] =	wrdreg $0x9  }
0xb7: {  	_ =	task.clear_ibuf [dreg:s7], $0x5FFFF;
	_ =	strace $0x90000046  }
0xb8: {  	s29 =	simm.s32 $0x9;
	_ =	strace $0x80000048  }
0xb9: {  	_ =	swait.ge [sflag:s29], $0x1  }
0xba: {  	[sflag:s29] =	ssyncadd.s32 $0xFFFFFFFF  }
0xbb: {  	_ =	strace $0x90000048  }
0xbc: {  	_ =	sfence  }
0xbd: {  	s30 =	sld [smem:$0x0];
	_ =	sdelay $0x2  }
0xbe: {  	s31 =	sshll.u32 s1, $0xD;
	s1 =	sshrl.u32 s1, $0x2  }
0xbf: {  	s3 =	sand.u32 $0x4000, s31;
	s1 =	sadd.s32 s1, s30  }
0xc0: {  	s0 =	sor.u32 s3, s0;
	s1 =	sshll.u32 s1, $0x11  }
0xc1: {  	s0 =	sor.u32 s1, s0  }
0xc2: {  	s0 =	sadd.s32 $0x8F2B, s0  }
0xc3: {  	[sflag:s0] =	ssyncadd.remote.s32 $0x1  }
0xc4: {  	_ =	sfence.sel $0xFFFF  }
0xc5: {  	[dreg:$0x0] =	wrdreg $0xFFFFFFFF;
	(pc) =	sbr.abs _section_cstart, $3  }
0xc6: {  	[dreg:$0x1] =	wrdreg $0xFFFFFFFF  }
0xc7: {  	_ =	task.clear_ibuf [dreg:s7], $0x2FFFF;
	_ =	strace $0x9FFFFFFF  }
0xc8: {  	(tm) =	ssettm $0x7FFFFFFF  }
0xc9: {  	_ =	shalt  }
tec
execute0_lowered:
.L_overlay_start_1:
0x0: {  	(tag) =	ssettag $0x1  }
0x1: {  	s0 =	srdreg.scid;
	s4 =	rddreg [dreg:$0x0]  }
0x2: {  	s6 =	stileid.u32;
	s2 =	rddreg [dreg:$0x1]  }
0x3: {  	s3 =	simm.s32 $0x0;
	s17 =	simm.s32 $0x1A00;
	s13 =	simm.s32 $0x4E00  }
0x4: {  	s14 =	simm.s32 $0x8200;
	s15 =	simm.s32 $0xB600;
	s16 =	simm.s32 $0xEA00  }
0x5: {  	s18 =	simm.s32 $0x15200;
	s11 =	simm.s32 $0x3300;
	s12 =	simm.s32 $0x6700  }
0x6: {  	s30 =	simm.s32 $0x9;
	s31 =	simm.s32 $0x11;
	s28 =	simm.s32 $0x8200  }
0x7: {  	s29 =	simm.s32 $0xB600;
	s0 =	sand.u32 $0x1, s0;
	s5 =	smul.u32 $0x38000, s6  }
0x8: {  	s1 =	sshll.u32 s6, $0x1;
	[smem:$0x7FF] =	sst s3;
	s6 =	smul.u32 $0x1C0000, s6  }
0x9: {  	s1 =	sor.u32 s0, s1;
	_ =	strace $0x80000047;
	s7 =	smul.u32 $0xE0000, s0  }
0xa: {  	s8 =	smul.u32 $0x1C000, s0;
	s0 =	ssub.s32 $0x2, s0;
	[dreg:$0xa] =	wrdreg s11  }
0xb: {  	[dreg:$0xb] =	wrdreg s12;
	s1 =	smul.u32 $0x340, s1;
	s19 =	sshrl.u32 s0, $0x1  }
0xc: {  	s11 =	simm.s32 $0xE;
	s6 =	sadd.s32 s7, s6;
	s0 =	ssub.s32 s0, s19  }
0xd: {  	s7 =	simm.s32 $0x68;
	s19 =	simm.s32 $0x11E00;
	s1 =	sadd.s32 s1, s4  }
0xe: {  	s4 =	sadd.s32 $0x17000, s4;
	s20 =	sor.u32 $0x1A400, s6;
	s22 =	sor.u32 $0x16C00, s6  }
0xf: {  	s9 =	sor.u32 $0x13400, s6;
	s26 =	sor.u32 $0xC400, s6;
	s0 =	smax.u32 s0, $0x1  }
0x10: {  	s5 =	sadd.s32 s5, s4;
	s21 =	sshrl.u32 s20, $0x3;
	s24 =	sshrl.u32 s9, $0x3  }
0x11: {  	s9 =	sor.u32 $0x8C00, s6;
	s1 =	sadd.s32 $0x10800, s1;
	[dreg:$0x13] =	wrdreg s0  }
0x12: {  	s6 =	sor.u32 $0x5400, s6;
	s5 =	sadd.s32 s8, s5;
	[dreg:$0x12] =	wrdreg s1  }
0x13: {  	s20 =	simm.s32 $0x18600;
	s25 =	sadd.s32 s24, s4;
	[dreg:$0x3] =	wrdreg s5  }
0x14: {  	s8 =	sshrl.u32 s22, $0x3;
	s22 =	simm.s32 $0xCF00;
	[dreg:$0x6] =	wrdreg s25  }
0x15: {  	s0 =	simm.s32 $0x0;
	s24 =	simm.s32 $0x13700;
	[dreg:$0xd] =	wrdreg s22  }
0x16: {  	s6 =	sshrl.u32 s6, $0x3;
	s5 =	sadd.s32 s21, s4;
	[dreg:$0xf] =	wrdreg s24  }
0x17: {  	s23 =	sadd.s32 s8, s4;
	s8 =	sshrl.u32 s26, $0x3;
	[dreg:$0x4] =	wrdreg s5  }
0x18: {  	s21 =	simm.s32 $0x9B00;
	s25 =	simm.s32 $0x16B00;
	[dreg:$0x5] =	wrdreg s23  }
0x19: {  	s26 =	simm.s32 $0x19F00;
	s22 =	simm.s32 $0xF;
	[dreg:$0xc] =	wrdreg s21  }
0x1a: {  	s24 =	simm.s32 $0x10;
	s5 =	sadd.s32 s8, s4;
	[dreg:$0x10] =	wrdreg s25  }
0x1b: {  	s8 =	sshrl.u32 s9, $0x3;
	s23 =	simm.s32 $0x10300;
	[dreg:$0x11] =	wrdreg s26  }
0x1c: {  	s9 =	simm.s32 $0xD;
	s21 =	simm.s32 $0x16;
	s25 =	simm.s32 $0x18  }
0x1d: {  	s26 =	simm.s32 $0x4E00;
	[dreg:$0x7] =	wrdreg s5;
	s10 =	sadd.s32 s8, s4  }
0x1e: {  	s4 =	sadd.s32 s6, s4;
	[dreg:$0xe] =	wrdreg s23;
	s5 =	simm.s32 $0x13  }
0x1f: {  	s6 =	simm.s32 $0xC;
	s8 =	simm.s32 $0x14;
	[dreg:$0x8] =	wrdreg s10  }
0x20: {  	s23 =	simm.s32 $0x17;
	[dreg:$0x9] =	wrdreg s4;
	s10 =	simm.s32 $0x15  }
.LBB2_1:
0x21: {  	[dreg:$0x14] =	wrdreg s0  }
0x22: {  	s12 =	rddreg [dreg:$0x12];
	s1 =	simm.s32 $0x19  }
0x23: {  	[tilespmem:s3], [sflag:$0x19] =	stream.linear.gather [hbm4b:s12+s3], $0x1A00, $0x38;
	[tilespmem:$0x1BA00] =	vst v63  }
0x24: {  	_ =	swait.ge [sflag:s1], $0x1A00  }
0x25: {  	[sflag:s1] =	ssyncset.done $0x0  }
0x26: {  	[sflag:s1] =	ssyncadd.s32 $0xFFFFE600  }
0x27: {  	[tilespmem:s17], [sflag:$0x1] =	stream.indirect.gather [hbm4b:s2+s7], $0x80, s3, s7, $0xb8;
	[tilespmem:$0x1BA00] =	vst v63  }
0x28: {  	s4 =	simm.s32 $0x68  }
0x29: {  	[tilespmem:s13], [sflag:$0x2] =	stream.indirect.gather [hbm4b:s2+s7], $0x80, s4, s7, $0xb8;
	[tilespmem:$0x1BA00] =	vst v63  }
0x2a: {  	s13 =	simm.s32 $0xD0  }
0x2b: {  	[tilespmem:s14], [sflag:$0x3] =	stream.indirect.gather [hbm4b:s2+s7], $0x80, s13, s7, $0xb8;
	[tilespmem:$0x1BA00] =	vst v63  }
0x2c: {  	s14 =	simm.s32 $0x138  }
0x2d: {  	[tilespmem:s15], [sflag:$0x4] =	stream.indirect.gather [hbm4b:s2+s7], $0x80, s14, s7, $0xb8;
	[tilespmem:$0x1BA00] =	vst v63  }
0x2e: {  	s15 =	simm.s32 $0x1A0  }
0x2f: {  	[tilespmem:s16], [sflag:$0x5] =	stream.indirect.gather [hbm4b:s2+s7], $0x80, s15, s7, $0xb8;
	[tilespmem:$0x1BA00] =	vst v63  }
0x30: {  	s0 =	simm.s32 $0x208  }
0x31: {  	[tilespmem:s19], [sflag:$0x6] =	stream.indirect.gather [hbm4b:s2+s7], $0x80, s0, s7, $0xb8;
	[tilespmem:$0x1BA00] =	vst v63  }
0x32: {  	s1 =	simm.s32 $0x270  }
0x33: {  	[tilespmem:s18], [sflag:$0x7] =	stream.indirect.gather [hbm4b:s2+s7], $0x80, s1, s7, $0xb8;
	[tilespmem:$0x1BA00] =	vst v63  }
0x34: {  	s4 =	simm.s32 $0x2D8;
	s13 =	simm.s32 $0x1  }
0x35: {  	[tilespmem:s20], [sflag:$0x8] =	stream.indirect.gather [hbm4b:s2+s7], $0x80, s4, s7, $0xb8;
	[tilespmem:$0x1BA00] =	vst v63  }
0x36: {  	_ =	swait.ge [sflag:s13], $0x3400  }
0x37: {  	s14 =	rddreg [dreg:$0x3];
	[sflag:s13] =	ssyncset.done $0x0  }
0x38: {  	[sflag:s13] =	ssyncadd.s32 $0xFFFFCC00;
	s12 =	sadd.s32 $0x0, s14  }
0x39: {  	[hbm4b:s12+s3] =	stream.linear.scatter [tilespmem:s17], [sflag:$0x9], $0x1900, $0x38;
	[tilespmem:$0x1BA00] =	vst v63  }
0x3a: {  	s15 =	rddreg [dreg:$0xa];
	s4 =	sadd.s32 $0x380, s12  }
0x3b: {  	[hbm4b:s4+s3] =	stream.linear.scatter [tilespmem:s15], [sflag:$0x11], $0x1900, $0x38;
	[tilespmem:$0x1BA00] =	vst v63  }
0x3c: {  	s4 =	simm.s32 $0x2  }
0x3d: {  	_ =	swait.ge [sflag:s4], $0x3400  }
0x3e: {  	s0 =	simm.s32 $0x4E00;
	[sflag:s4] =	ssyncset.done $0x0  }
0x3f: {  	s14 =	sadd.s32 $0x700, s12;
	s13 =	rddreg [dreg:$0x9];
	[sflag:s4] =	ssyncadd.s32 $0xFFFFCC00  }
0x40: {  	[hbm4b:s14+s3] =	stream.linear.scatter [tilespmem:s0], [sflag:$0xA], $0x1900, $0x38;
	[tilespmem:$0x1BA00] =	vst v63  }
0x41: {  	s15 =	rddreg [dreg:$0xb];
	s13 =	sadd.s32 $0x0, s13;
	s14 =	simm.s32 $0x3  }
0x42: {  	[hbm4b:s13+s3] =	stream.linear.scatter [tilespmem:s15], [sflag:$0x12], $0x1900, $0x38;
	[tilespmem:$0x1BA00] =	vst v63  }
0x43: {  	_ =	swait.ge [sflag:s14], $0x3400  }
0x44: {  	s1 =	simm.s32 $0x8200;
	[sflag:s14] =	ssyncset.done $0x0  }
0x45: {  	s15 =	sadd.s32 $0xE00, s12;
	s13 =	rddreg [dreg:$0x8];
	[sflag:s14] =	ssyncadd.s32 $0xFFFFCC00  }
0x46: {  	[hbm4b:s15+s3] =	stream.linear.scatter [tilespmem:s1], [sflag:$0xB], $0x1900, $0x38;
	[tilespmem:$0x1BA00] =	vst v63  }
0x47: {  	s0 =	rddreg [dreg:$0xc];
	s13 =	sadd.s32 $0x0, s13;
	s14 =	simm.s32 $0x4  }
0x48: {  	[hbm4b:s13+s3] =	stream.linear.scatter [tilespmem:s0], [sflag:$0x13], $0x1900, $0x38;
	[tilespmem:$0x1BA00] =	vst v63  }
0x49: {  	_ =	swait.ge [sflag:s14], $0x3400  }
0x4a: {  	s4 =	simm.s32 $0xB600;
	[sflag:s14] =	ssyncset.done $0x0  }
0x4b: {  	s0 =	sadd.s32 $0x1500, s12;
	s15 =	rddreg [dreg:$0x7];
	[sflag:s14] =	ssyncadd.s32 $0xFFFFCC00  }
0x4c: {  	[hbm4b:s0+s3] =	stream.linear.scatter [tilespmem:s4], [sflag:$0xC], $0x1900, $0x38;
	[tilespmem:$0x1BA00] =	vst v63  }
0x4d: {  	s1 =	rddreg [dreg:$0xd];
	s13 =	sadd.s32 $0x0, s15;
	s15 =	simm.s32 $0x5  }
0x4e: {  	[hbm4b:s13+s3] =	stream.linear.scatter [tilespmem:s1], [sflag:$0x14], $0x1900, $0x38;
	[tilespmem:$0x1BA00] =	vst v63  }
0x4f: {  	_ =	swait.ge [sflag:s15], $0x3400  }
0x50: {  	[sflag:s15] =	ssyncset.done $0x0  }
0x51: {  	s0 =	sadd.s32 $0x1C00, s12;
	[sflag:s15] =	ssyncadd.s32 $0xFFFFCC00  }
0x52: {  	[hbm4b:s0+s3] =	stream.linear.scatter [tilespmem:s16], [sflag:$0xD], $0x1900, $0x38;
	[tilespmem:$0x1BA00] =	vst v63  }
0x53: {  	s14 =	simm.s32 $0x6;
	s4 =	sadd.s32 $0x1F80, s12;
	s1 =	rddreg [dreg:$0xe]  }
0x54: {  	[hbm4b:s4+s3] =	stream.linear.scatter [tilespmem:s1], [sflag:$0x15], $0x1900, $0x38;
	[tilespmem:$0x1BA00] =	vst v63  }
0x55: {  	_ =	swait.ge [sflag:s14], $0x3400  }
0x56: {  	[sflag:s14] =	ssyncset.done $0x0  }
0x57: {  	s1 =	sadd.s32 $0x2300, s12;
	s15 =	rddreg [dreg:$0x6];
	[sflag:s14] =	ssyncadd.s32 $0xFFFFCC00  }
0x58: {  	[hbm4b:s1+s3] =	stream.linear.scatter [tilespmem:s19], [sflag:$0xE], $0x1900, $0x38;
	[tilespmem:$0x1BA00] =	vst v63  }
0x59: {  	s4 =	rddreg [dreg:$0xf];
	s13 =	sadd.s32 $0x0, s15;
	s14 =	simm.s32 $0x7  }
0x5a: {  	[hbm4b:s13+s3] =	stream.linear.scatter [tilespmem:s4], [sflag:$0x16], $0x1900, $0x38;
	[tilespmem:$0x1BA00] =	vst v63  }
0x5b: {  	_ =	swait.ge [sflag:s14], $0x3400  }
0x5c: {  	[sflag:s14] =	ssyncset.done $0x0  }
0x5d: {  	s1 =	sadd.s32 $0x2A00, s12;
	s15 =	rddreg [dreg:$0x5];
	[sflag:s14] =	ssyncadd.s32 $0xFFFFCC00  }
0x5e: {  	[hbm4b:s1+s3] =	stream.linear.scatter [tilespmem:s18], [sflag:$0xF], $0x1900, $0x38;
	[tilespmem:$0x1BA00] =	vst v63  }
0x5f: {  	s4 =	rddreg [dreg:$0x10];
	s13 =	sadd.s32 $0x0, s15;
	s15 =	simm.s32 $0x8  }
0x60: {  	[hbm4b:s13+s3] =	stream.linear.scatter [tilespmem:s4], [sflag:$0x17], $0x1900, $0x38;
	[tilespmem:$0x1BA00] =	vst v63  }
0x61: {  	_ =	swait.ge [sflag:s15], $0x3400  }
0x62: {  	[sflag:s15] =	ssyncset.done $0x0  }
0x63: {  	s12 =	sadd.s32 $0x3100, s12;
	s1 =	rddreg [dreg:$0x4];
	[sflag:s15] =	ssyncadd.s32 $0xFFFFCC00  }
0x64: {  	[hbm4b:s12+s3] =	stream.linear.scatter [tilespmem:s20], [sflag:$0x10], $0x1900, $0x38;
	[tilespmem:$0x1BA00] =	vst v63  }
0x65: {  	s4 =	rddreg [dreg:$0x11];
	s13 =	sadd.s32 $0x0, s1  }
0x66: {  	[hbm4b:s13+s3] =	stream.linear.scatter [tilespmem:s4], [sflag:$0x18], $0x1900, $0x38;
	[tilespmem:$0x1BA00] =	vst v63  }
0x67: {  	_ =	swait.ge [sflag:s30], $0x1900  }
0x68: {  	[sflag:s30] =	ssyncset.done $0x0  }
0x69: {  	[sflag:s30] =	ssyncadd.s32 $0xFFFFE700  }
0x6a: {  	_ =	swait.ge [sflag:s31], $0x1900  }
0x6b: {  	[sflag:s31] =	ssyncset.done $0x0  }
0x6c: {  	s1 =	simm.s32 $0xA;
	[sflag:s31] =	ssyncadd.s32 $0xFFFFE700  }
0x6d: {  	_ =	swait.ge [sflag:s1], $0x1900  }
0x6e: {  	[sflag:s1] =	ssyncset.done $0x0  }
0x6f: {  	s0 =	simm.s32 $0x12;
	[sflag:s1] =	ssyncadd.s32 $0xFFFFE700  }
0x70: {  	_ =	swait.ge [sflag:s0], $0x1900  }
0x71: {  	[sflag:s0] =	ssyncset.done $0x0  }
0x72: {  	s4 =	simm.s32 $0xB;
	[sflag:s0] =	ssyncadd.s32 $0xFFFFE700  }
0x73: {  	_ =	swait.ge [sflag:s4], $0x1900  }
0x74: {  	[sflag:s4] =	ssyncset.done $0x0  }
0x75: {  	[sflag:s4] =	ssyncadd.s32 $0xFFFFE700  }
0x76: {  	_ =	swait.ge [sflag:s5], $0x1900  }
0x77: {  	[sflag:s5] =	ssyncset.done $0x0  }
0x78: {  	[sflag:s5] =	ssyncadd.s32 $0xFFFFE700  }
0x79: {  	_ =	swait.ge [sflag:s6], $0x1900  }
0x7a: {  	[sflag:s6] =	ssyncset.done $0x0  }
0x7b: {  	[sflag:s6] =	ssyncadd.s32 $0xFFFFE700  }
0x7c: {  	_ =	swait.ge [sflag:s8], $0x1900  }
0x7d: {  	[sflag:s8] =	ssyncset.done $0x0  }
0x7e: {  	[sflag:s8] =	ssyncadd.s32 $0xFFFFE700  }
0x7f: {  	_ =	swait.ge [sflag:s9], $0x1900  }
0x80: {  	[sflag:s9] =	ssyncset.done $0x0  }
0x81: {  	[sflag:s9] =	ssyncadd.s32 $0xFFFFE700  }
0x82: {  	_ =	swait.ge [sflag:s10], $0x1900  }
0x83: {  	[sflag:s10] =	ssyncset.done $0x0  }
0x84: {  	[sflag:s10] =	ssyncadd.s32 $0xFFFFE700  }
0x85: {  	_ =	swait.ge [sflag:s11], $0x1900  }
0x86: {  	[sflag:s11] =	ssyncset.done $0x0  }
0x87: {  	[sflag:s11] =	ssyncadd.s32 $0xFFFFE700  }
0x88: {  	_ =	swait.ge [sflag:s21], $0x1900  }
0x89: {  	[sflag:s21] =	ssyncset.done $0x0  }
0x8a: {  	[sflag:s21] =	ssyncadd.s32 $0xFFFFE700  }
0x8b: {  	_ =	swait.ge [sflag:s22], $0x1900  }
0x8c: {  	[sflag:s22] =	ssyncset.done $0x0  }
0x8d: {  	[sflag:s22] =	ssyncadd.s32 $0xFFFFE700  }
0x8e: {  	_ =	swait.ge [sflag:s23], $0x1900  }
0x8f: {  	[sflag:s23] =	ssyncset.done $0x0  }
0x90: {  	[sflag:s23] =	ssyncadd.s32 $0xFFFFE700  }
0x91: {  	_ =	swait.ge [sflag:s24], $0x1900  }
0x92: {  	[sflag:s24] =	ssyncset.done $0x0  }
0x93: {  	s15 =	simm.s32 $0x18;
	[sflag:s24] =	ssyncadd.s32 $0xFFFFE700  }
0x94: {  	_ =	swait.ge [sflag:s15], $0x1900  }
0x95: {  	s12 =	simm.s32 $0x3800;
	s13 =	simm.s32 $0x0;
	[sflag:s15] =	ssyncset.done $0x0  }
.LBB2_2:
0x96: {  	[sflag:s25] =	ssyncadd.s32 $0xFFFFE700;
	s13 =	sadd.s32 $0x340, s13  }
0x97: {  	[tilespmem:s17], [sflag:$0x1] =	stream.indirect.gather [hbm4b:s2+s7], $0x80, s13, s7, $0xb8;
	[tilespmem:$0x1BA00] =	vst v63  }
0x98: {  	s15 =	sadd.s32 $0x68, s13  }
0x99: {  	[tilespmem:s26], [sflag:$0x2] =	stream.indirect.gather [hbm4b:s2+s7], $0x80, s15, s7, $0xb8;
	[tilespmem:$0x1BA00] =	vst v63  }
0x9a: {  	s15 =	sadd.s32 $0xD0, s13  }
0x9b: {  	[tilespmem:s28], [sflag:$0x3] =	stream.indirect.gather [hbm4b:s2+s7], $0x80, s15, s7, $0xb8;
	[tilespmem:$0x1BA00] =	vst v63  }
0x9c: {  	s15 =	sadd.s32 $0x138, s13  }
0x9d: {  	[tilespmem:s29], [sflag:$0x4] =	stream.indirect.gather [hbm4b:s2+s7], $0x80, s15, s7, $0xb8;
	[tilespmem:$0x1BA00] =	vst v63  }
0x9e: {  	s15 =	sadd.s32 $0x1A0, s13  }
0x9f: {  	[tilespmem:s16], [sflag:$0x5] =	stream.indirect.gather [hbm4b:s2+s7], $0x80, s15, s7, $0xb8;
	[tilespmem:$0x1BA00] =	vst v63  }
0xa0: {  	s16 =	sadd.s32 $0x208, s13  }
0xa1: {  	[tilespmem:s19], [sflag:$0x6] =	stream.indirect.gather [hbm4b:s2+s7], $0x80, s16, s7, $0xb8;
	[tilespmem:$0x1BA00] =	vst v63  }
0xa2: {  	s19 =	sadd.s32 $0x270, s13  }
0xa3: {  	[tilespmem:s18], [sflag:$0x7] =	stream.indirect.gather [hbm4b:s2+s7], $0x80, s19, s7, $0xb8;
	[tilespmem:$0x1BA00] =	vst v63  }
0xa4: {  	s16 =	sadd.s32 $0x2D8, s13;
	s18 =	simm.s32 $0x1  }
0xa5: {  	[tilespmem:s20], [sflag:$0x8] =	stream.indirect.gather [hbm4b:s2+s7], $0x80, s16, s7, $0xb8;
	[tilespmem:$0x1BA00] =	vst v63  }
0xa6: {  	_ =	swait.ge [sflag:s18], $0x3400  }
0xa7: {  	s14 =	smov.u32 s12;
	s19 =	rddreg [dreg:$0x3];
	[sflag:s18] =	ssyncset.done $0x0  }
0xa8: {  	[sflag:s18] =	ssyncadd.s32 $0xFFFFCC00;
	s15 =	sadd.s32 s14, s19  }
0xa9: {  	[hbm4b:s15+s3] =	stream.linear.scatter [tilespmem:s17], [sflag:$0x9], $0x1900, $0x38;
	[tilespmem:$0x1BA00] =	vst v63  }
0xaa: {  	s20 =	rddreg [dreg:$0xa];
	s18 =	sadd.s32 $0x380, s15  }
0xab: {  	[hbm4b:s18+s3] =	stream.linear.scatter [tilespmem:s20], [sflag:$0x11], $0x1900, $0x38;
	[tilespmem:$0x1BA00] =	vst v63  }
0xac: {  	s20 =	simm.s32 $0x2  }
0xad: {  	_ =	swait.ge [sflag:s20], $0x3400  }
0xae: {  	[sflag:s20] =	ssyncset.done $0x0  }
0xaf: {  	s17 =	sadd.s32 $0x700, s15;
	s16 =	rddreg [dreg:$0x9];
	[sflag:s20] =	ssyncadd.s32 $0xFFFFCC00  }
0xb0: {  	[hbm4b:s17+s3] =	stream.linear.scatter [tilespmem:s26], [sflag:$0xA], $0x1900, $0x38;
	[tilespmem:$0x1BA00] =	vst v63  }
0xb1: {  	s18 =	rddreg [dreg:$0xb];
	s16 =	sadd.s32 s14, s16  }
0xb2: {  	[hbm4b:s16+s3] =	stream.linear.scatter [tilespmem:s18], [sflag:$0x12], $0x1900, $0x38;
	[tilespmem:$0x1BA00] =	vst v63  }
0xb3: {  	s18 =	simm.s32 $0x3  }
0xb4: {  	_ =	swait.ge [sflag:s18], $0x3400  }
0xb5: {  	[sflag:s18] =	ssyncset.done $0x0  }
0xb6: {  	s17 =	sadd.s32 $0xE00, s15;
	s16 =	rddreg [dreg:$0x8];
	[sflag:s18] =	ssyncadd.s32 $0xFFFFCC00  }
0xb7: {  	[hbm4b:s17+s3] =	stream.linear.scatter [tilespmem:s28], [sflag:$0xB], $0x1900, $0x38;
	[tilespmem:$0x1BA00] =	vst v63  }
0xb8: {  	s18 =	rddreg [dreg:$0xc];
	s16 =	sadd.s32 s14, s16  }
0xb9: {  	[hbm4b:s16+s3] =	stream.linear.scatter [tilespmem:s18], [sflag:$0x13], $0x1900, $0x38;
	[tilespmem:$0x1BA00] =	vst v63  }
0xba: {  	s18 =	simm.s32 $0x4  }
0xbb: {  	_ =	swait.ge [sflag:s18], $0x3400  }
0xbc: {  	[sflag:s18] =	ssyncset.done $0x0  }
0xbd: {  	s17 =	sadd.s32 $0x1500, s15;
	s16 =	rddreg [dreg:$0x7];
	[sflag:s18] =	ssyncadd.s32 $0xFFFFCC00  }
0xbe: {  	[hbm4b:s17+s3] =	stream.linear.scatter [tilespmem:s29], [sflag:$0xC], $0x1900, $0x38;
	[tilespmem:$0x1BA00] =	vst v63  }
0xbf: {  	s18 =	rddreg [dreg:$0xd];
	s16 =	sadd.s32 s14, s16;
	s17 =	simm.s32 $0x5  }
0xc0: {  	[hbm4b:s16+s3] =	stream.linear.scatter [tilespmem:s18], [sflag:$0x14], $0x1900, $0x38;
	[tilespmem:$0x1BA00] =	vst v63  }
0xc1: {  	_ =	swait.ge [sflag:s17], $0x3400  }
0xc2: {  	[sflag:s17] =	ssyncset.done $0x0  }
0xc3: {  	s19 =	simm.s32 $0xEA00;
	s18 =	sadd.s32 $0x1C00, s15;
	[sflag:s17] =	ssyncadd.s32 $0xFFFFCC00  }
0xc4: {  	[hbm4b:s18+s3] =	stream.linear.scatter [tilespmem:s19], [sflag:$0xD], $0x1900, $0x38;
	[tilespmem:$0x1BA00] =	vst v63  }
0xc5: {  	s17 =	rddreg [dreg:$0xe];
	s18 =	sadd.s32 $0x1F80, s15  }
0xc6: {  	[hbm4b:s18+s3] =	stream.linear.scatter [tilespmem:s17], [sflag:$0x15], $0x1900, $0x38;
	[tilespmem:$0x1BA00] =	vst v63  }
0xc7: {  	s18 =	simm.s32 $0x6  }
0xc8: {  	_ =	swait.ge [sflag:s18], $0x3400  }
0xc9: {  	s19 =	simm.s32 $0x11E00;
	[sflag:s18] =	ssyncset.done $0x0  }
0xca: {  	s17 =	sadd.s32 $0x2300, s15;
	s16 =	rddreg [dreg:$0x6];
	[sflag:s18] =	ssyncadd.s32 $0xFFFFCC00  }
0xcb: {  	[hbm4b:s17+s3] =	stream.linear.scatter [tilespmem:s19], [sflag:$0xE], $0x1900, $0x38;
	[tilespmem:$0x1BA00] =	vst v63  }
0xcc: {  	s18 =	rddreg [dreg:$0xf];
	s16 =	sadd.s32 s14, s16  }
0xcd: {  	[hbm4b:s16+s3] =	stream.linear.scatter [tilespmem:s18], [sflag:$0x16], $0x1900, $0x38;
	[tilespmem:$0x1BA00] =	vst v63  }
0xce: {  	s18 =	simm.s32 $0x7  }
0xcf: {  	_ =	swait.ge [sflag:s18], $0x3400  }
0xd0: {  	s20 =	simm.s32 $0x15200;
	[sflag:s18] =	ssyncset.done $0x0  }
0xd1: {  	s17 =	sadd.s32 $0x2A00, s15;
	s16 =	rddreg [dreg:$0x5];
	[sflag:s18] =	ssyncadd.s32 $0xFFFFCC00  }
0xd2: {  	[hbm4b:s17+s3] =	stream.linear.scatter [tilespmem:s20], [sflag:$0xF], $0x1900, $0x38;
	[tilespmem:$0x1BA00] =	vst v63  }
0xd3: {  	s18 =	rddreg [dreg:$0x10];
	s16 =	sadd.s32 s14, s16;
	s17 =	simm.s32 $0x8  }
0xd4: {  	[hbm4b:s16+s3] =	stream.linear.scatter [tilespmem:s18], [sflag:$0x17], $0x1900, $0x38;
	[tilespmem:$0x1BA00] =	vst v63  }
0xd5: {  	_ =	swait.ge [sflag:s17], $0x3400  }
0xd6: {  	s15 =	sadd.s32 $0x3100, s15;
	[sflag:s17] =	ssyncset.done $0x0  }
0xd7: {  	s20 =	simm.s32 $0x18600;
	s16 =	rddreg [dreg:$0x4];
	[sflag:s17] =	ssyncadd.s32 $0xFFFFCC00  }
0xd8: {  	[hbm4b:s15+s3] =	stream.linear.scatter [tilespmem:s20], [sflag:$0x10], $0x1900, $0x38;
	[tilespmem:$0x1BA00] =	vst v63  }
0xd9: {  	s17 =	rddreg [dreg:$0x11];
	s14 =	sadd.s32 s14, s16  }
0xda: {  	[hbm4b:s14+s3] =	stream.linear.scatter [tilespmem:s17], [sflag:$0x18], $0x1900, $0x38;
	[tilespmem:$0x1BA00] =	vst v63  }
0xdb: {  	_ =	swait.ge [sflag:s30], $0x1900  }
0xdc: {  	[sflag:s30] =	ssyncset.done $0x0  }
0xdd: {  	[sflag:s30] =	ssyncadd.s32 $0xFFFFE700  }
0xde: {  	_ =	swait.ge [sflag:s31], $0x1900  }
0xdf: {  	[sflag:s31] =	ssyncset.done $0x0  }
0xe0: {  	[sflag:s31] =	ssyncadd.s32 $0xFFFFE700  }
0xe1: {  	_ =	swait.ge [sflag:s1], $0x1900  }
0xe2: {  	[sflag:s1] =	ssyncset.done $0x0  }
0xe3: {  	[sflag:s1] =	ssyncadd.s32 $0xFFFFE700  }
0xe4: {  	_ =	swait.ge [sflag:s0], $0x1900  }
0xe5: {  	[sflag:s0] =	ssyncset.done $0x0  }
0xe6: {  	[sflag:s0] =	ssyncadd.s32 $0xFFFFE700  }
0xe7: {  	_ =	swait.ge [sflag:s4], $0x1900  }
0xe8: {  	[sflag:s4] =	ssyncset.done $0x0  }
0xe9: {  	[sflag:s4] =	ssyncadd.s32 $0xFFFFE700  }
0xea: {  	_ =	swait.ge [sflag:s5], $0x1900  }
0xeb: {  	[sflag:s5] =	ssyncset.done $0x0  }
0xec: {  	[sflag:s5] =	ssyncadd.s32 $0xFFFFE700  }
0xed: {  	_ =	swait.ge [sflag:s6], $0x1900  }
0xee: {  	[sflag:s6] =	ssyncset.done $0x0  }
0xef: {  	[sflag:s6] =	ssyncadd.s32 $0xFFFFE700  }
0xf0: {  	_ =	swait.ge [sflag:s8], $0x1900  }
0xf1: {  	[sflag:s8] =	ssyncset.done $0x0  }
0xf2: {  	[sflag:s8] =	ssyncadd.s32 $0xFFFFE700  }
0xf3: {  	_ =	swait.ge [sflag:s9], $0x1900  }
0xf4: {  	[sflag:s9] =	ssyncset.done $0x0  }
0xf5: {  	[sflag:s9] =	ssyncadd.s32 $0xFFFFE700  }
0xf6: {  	_ =	swait.ge [sflag:s10], $0x1900  }
0xf7: {  	[sflag:s10] =	ssyncset.done $0x0  }
0xf8: {  	[sflag:s10] =	ssyncadd.s32 $0xFFFFE700  }
0xf9: {  	_ =	swait.ge [sflag:s11], $0x1900  }
0xfa: {  	[sflag:s11] =	ssyncset.done $0x0  }
0xfb: {  	[sflag:s11] =	ssyncadd.s32 $0xFFFFE700  }
0xfc: {  	_ =	swait.ge [sflag:s21], $0x1900  }
0xfd: {  	[sflag:s21] =	ssyncset.done $0x0  }
0xfe: {  	[sflag:s21] =	ssyncadd.s32 $0xFFFFE700  }
0xff: {  	_ =	swait.ge [sflag:s22], $0x1900  }
0x100: {  	[sflag:s22] =	ssyncset.done $0x0  }
0x101: {  	[sflag:s22] =	ssyncadd.s32 $0xFFFFE700  }
0x102: {  	_ =	swait.ge [sflag:s23], $0x1900  }
0x103: {  	[sflag:s23] =	ssyncset.done $0x0  }
0x104: {  	p0 =	sne.s32 s12, $0x18800;
	[sflag:s23] =	ssyncadd.s32 $0xFFFFE700  }
.Ltmp0:
0x105: {  	_ =	swait.ge [sflag:s24], $0x1900;
	(pc) =	sbr.rel @p0 .LBB2_2-.Ltmp0, $4  }
0x106: {  	[sflag:s24] =	ssyncset.done $0x0  }
0x107: {  	s12 =	sadd.s32 $0x3800, s12;
	[sflag:s24] =	ssyncadd.s32 $0xFFFFE700  }
0x108: {  	s18 =	simm.s32 $0x15200;
	s16 =	simm.s32 $0xEA00;
	_ =	swait.ge [sflag:s25], $0x1900  }
0x109: {  	s17 =	simm.s32 $0x1A00;
	s14 =	simm.s32 $0x18;
	[sflag:s25] =	ssyncset.done $0x0  }
0x10a: {  	s0 =	rddreg [dreg:$0x14]  }
0x10b: {  	s12 =	rddreg [dreg:$0x13];
	s0 =	sadd.s32 $0x1, s0  }
0x10c: {  	p0 =	sne.s32 s0, s12  }
.Ltmp1:
0x10d: {  	_ = 	snop;
	(pc) =	sbr.rel @p0 .LBB2_1-.Ltmp1, $3  }
0x10e: {  	_ =	sdelay $0x1  }
0x10f: {  	[sflag:s14] =	ssyncadd.s32 $0xFFFFE700  }
0x110: {  	s13 =	simm.s32 $0x4E00;
	s14 =	simm.s32 $0x8200;
	s15 =	simm.s32 $0xB600  }
0x111: {  	_ =	sfence.sel $0x180000  }
0x112: {  	[bflag:$0x0] =	sbarrier.arrive $0xFFFF  }
0x113: {  	_ =	strace $0x90000047  }
0x114: {  	s0 =	stileid.u32;
	[bflag:$0x2] =	sbarrier.arrive $0xFFFF  }
0x115: {  	p0 =	sne.s32 s0, $0x0;
	s0 =	rddreg [dreg:$0x2]  }
0x116: {  	s0 =	sadd.s32 @!p0 $0x100000, s0  }
0x117: {  	[sflag:s0] =	ssyncadd.tile.s32 @!p0 $0x1;
	_ =	shalt  }
.Lfunc_end2:
_tile_overlayer_lowered:
.L_overlay_start_2:
0x118: {  	(tag) =	ssettag $0x2  }
0x119: {  	s0 =	rddreg [dreg:$0x0];
	s2 =	stileid.u32  }
0x11a: {  	s1 =	rddreg [dreg:$0x1];
	p0 =	sne.s32 s2, $0x0  }
0x11b: {  	s3 =	rddreg [dreg:$0x2];
	[bflag:$0x3] =	sbarrier.arrive $0xFFFF;
	s2 =	simm.s32 @!p0 $0x1C19  }
0x11c: {  	[timem:s3], [sflag:s2] =	dma.local @!p0 [hbm:s0], s1  }
0x11d: {  	s0 =	simm.s32 @!p0 $0x19  }
0x11e: {  	_ =	swait.ge @!p0 [sflag:s0], s1  }
0x11f: {  	s1 =	ssub.s32 @!p0 $0x0, s1;
	[sflag:s0] =	ssyncset.done @!p0 $0x0  }
0x120: {  	[sflag:s0] =	ssyncadd.s32 @!p0 s1  }
0x121: {  	[bflag:$0x3] =	sbarrier.arrive $0xFFFF  }
0x122: {  	_ =	shalt  }

// kernel: sparse-core-data-format-call.cloned.1.call-start
scs
called_computation_lowered:
.L_overlay_start_0:
0x0: {  	s2 =	sld [smem:$0x3FD9]  }
0x1: {  	s3 =	sld [smem:$0x3FFE];
	_ =	sdelay $0x1  }
0x2: {  	s1 =	srdreg.scid  }
0x3: {  	s0 =	sand.u32 $0x1, s1  }
0x4: {  	s15 =	sshll.u32 s0, $0xA;
	s2 =	sadd.s32 s3, s2  }
0x5: {  	s2 =	sadd.s32 s2, s15  }
0x6: {  	[smem:$0x3FC6] =	sst s2  }
0x7: {  	_ = 	snop  }
0x8: {  	s2 =	sld [smem:$0x3FD0];
	_ =	sdelay $0x2  }
0x9: {  	s16 =	simm.s32 $0xA;
	s4 =	simm.s32 $0x10  }
0xa: {  	[smem:s4], [sflag:s16] =	dma.local [hbm:s2], $0x1  }
0xb: {  	_ =	swait.eq [sflag:s16], $0x1  }
0xc: {  	[sflag:s16] =	ssyncset.done $0x0  }
0xd: {  	[sflag:s16] =	ssyncadd.s32 $0xFFFFFFFF  }
0xe: {  	s17 =	sld [smem:$0x10];
	(tm) =	ssettm $0x1  }
0xf: {  	s18 =	sld [smem:$0x3FFB];
	_ =	sdelay $0x3  }
0x10: {  	_ =	strace s18  }
0x11: {  	s3 =	sld [smem:$0x3FFC];
	_ =	sdelay $0x3  }
0x12: {  	_ =	strace s3  }
0x13: {  	s3 =	sld [smem:$0x3FFD];
	_ =	sdelay $0x3  }
0x14: {  	_ =	strace s3  }
0x15: {  	_ =	strace $0x8FFFFFFF  }
0x16: {  	s19 =	sld [smem:$0x3FDB];
	_ =	sdelay $0x1  }
0x17: {  	s20 =	simm.s32 $_scs_section_size  }
0x18: {  	s5 =	simm.s32 $_size__tile_overlayer_lowered;
	s6 =	simm.s32 $_tile_overlayer_lowered  }
0x19: {  	s23 =	simm.s32 $0x1BFF;
	s22 =	sshll.u32 s6, $0x1;
	s3 =	sadd.s32 s20, s19  }
0x1a: {  	s7 =	simm.s32 $0x0;
	s21 =	sshll.u32 s5, $0x1;
	s5 =	sadd.s32 s22, s3  }
0x1b: {  	[timem:s7], [sflag:s23] =	dma.local [hbm:s5], s21  }
0x1c: {  	_ =	swait.ge [sflag:s23], s21  }
0x1d: {  	s4 =	ssub.s32 $0x0, s21;
	[sflag:s23] =	ssyncset.done $0x0  }
0x1e: {  	[sflag:s23] =	ssyncadd.s32 s4;
	_ =	sdelay $0x1  }
0x1f: {  	s24 =	simm.s32 $0x1B8B  }
0x20: {  	_ =	swait.ge [sflag:s24], $0x1  }
0x21: {  	[sflag:s24] =	ssyncset.done $0x0  }
0x22: {  	s26 =	simm.s32 $0x1B8E;
	s25 =	sld [smem:$0x3FFE];
	[sflag:s24] =	ssyncadd.s32 $0xFFFFFFFF  }
0x23: {  	s27 =	simm.s32 $execute0_lowered;
	[smem:$0x3FD2] =	sst s26  }
0x24: {  	s5 =	sshll.u32 s27, $0x1;
	_ =	strace $0x80000049;
	[dreg:$0x1] =	wrdreg $0xFFFFFFFF  }
0x25: {  	s28 =	simm.s32 $_size_execute0_lowered;
	s3 =	sadd.s32 s3, s5;
	[dreg:$0x0] =	wrdreg $0x0  }
0x26: {  	s5 =	sshll.u32 s28, $0x1;
	[dreg:$0x2] =	wrdreg s3  }
0x27: {  	[dreg:$0x3] =	wrdreg s5  }
0x28: {  	[dreg:$0x4] =	wrdreg $0xC0  }
0x29: {  	_ =	task [dreg:s7], $0x5FFFF  }
0x2a: {  	[dreg:$0x1] =	wrdreg $0xFFFFFFFF  }
0x2b: {  	[dreg:$0x0] =	wrdreg $0x60  }
0x2c: {  	[dreg:$0x2] =	wrdreg s25  }
0x2d: {  	[dreg:$0x3] =	wrdreg s17  }
0x2e: {  	[dreg:$0x4] =	wrdreg $0x9  }
0x2f: {  	_ =	task.clear_ibuf [dreg:s7], $0x5FFFF;
	_ =	strace $0x90000049  }
0x30: {  	s29 =	simm.s32 $0x9;
	_ =	strace $0x8000004B  }
0x31: {  	_ =	swait.ge [sflag:s29], $0x1  }
0x32: {  	[sflag:s29] =	ssyncadd.s32 $0xFFFFFFFF  }
0x33: {  	_ =	strace $0x9000004B  }
0x34: {  	_ =	sfence  }
0x35: {  	s30 =	sld [smem:$0x0];
	_ =	sdelay $0x2  }
0x36: {  	s31 =	sshll.u32 s1, $0xD;
	s1 =	sshrl.u32 s1, $0x2  }
0x37: {  	s3 =	sand.u32 $0x4000, s31;
	s1 =	sadd.s32 s1, s30  }
0x38: {  	s0 =	sor.u32 s3, s0;
	s1 =	sshll.u32 s1, $0x11  }
0x39: {  	s0 =	sor.u32 s1, s0  }
0x3a: {  	s0 =	sadd.s32 $0x8F2B, s0  }
0x3b: {  	[sflag:s0] =	ssyncadd.remote.s32 $0x1  }
0x3c: {  	_ =	sfence.sel $0xFFFF  }
0x3d: {  	[dreg:$0x0] =	wrdreg $0xFFFFFFFF;
	(pc) =	sbr.abs _section_cstart, $3  }
0x3e: {  	[dreg:$0x1] =	wrdreg $0xFFFFFFFF  }
0x3f: {  	_ =	task.clear_ibuf [dreg:s7], $0x2FFFF;
	_ =	strace $0x9FFFFFFF  }
0x40: {  	(tm) =	ssettm $0x7FFFFFFF  }
0x41: {  	_ =	shalt  }
tec
execute0_lowered:
.L_overlay_start_1:
0x0: {  	(tag) =	ssettag $0x1  }
0x1: {  	s0 =	srdreg.scid  }
0x2: {  	s1 =	sshll.u32 s0, $0x4  }
0x3: {  	s6 =	rddreg [dreg:$0x0];
	s0 =	stileid.u32;
	s1 =	sand.u32 $0x10, s1  }
0x4: {  	s3 =	rddreg [dreg:$0x1];
	s1 =	sor.u32 s0, s1  }
0x5: {  	s5 =	simm.s32 $0x1;
	s31 =	simm.s32 $0x2;
	s2 =	sshll.u32 s1, $0x7  }
0x6: {  	s15 =	simm.s32 $0x0;
	s8 =	simm.s32 $0x8000;
	s4 =	ssub.s32 $0x1000, s2  }
0x7: {  	s14 =	simm.s32 $0x0;
	s9 =	simm.s32 $0x0;
	s30 =	sand.u32 $0xF80, s4  }
0x8: {  	s10 =	simm.s32 $0x0;
	s11 =	simm.s32 $0x0;
	p0 =	sne.s32 s30, $0x0  }
.Ltmp0:
0x9: {  	s7 =	sshrl.u32 s4, $0xC;
	s5 =	simm.s32 @!p0 $0x0;
	(pc) =	sbr.rel .LBB1_1-.Ltmp0, $4  }
0xa: {  	s13 =	simm.s32 $0x0;
	s1 =	rddreg [dreg:$0x2];
	s5 =	sadd.s32 s5, s7  }
0xb: {  	_ =	strace $0x8000004A;
	s4 =	simm.s32 $0x1;
	s5 =	smul.u32 $0x32, s5  }
0xc: {  	s6 =	sadd.s32 $0x17000, s6;
	s12 =	smov.u32 s2;
	[sflag:s4] =	ssyncpa.u1 $0x0  }
0xd: {  	[sflag:s31] =	ssyncpa.u1 $0x0;
	p0 =	por $0x0, $0x0;
	s7 =	sor.u32 $0x1, s5  }
.LBB1_4:
0xe: {  	s20 =	sshra.s32 s20, $0x2;
	s28 =	sshll.u32 s10, $0x3;
	p1 =	sgt.s32 s9, $0x31  }
0xf: {  	s21 =	smov.u32 s9;
	s23 =	sshra.s32 s9, $0x1F;
	s24 =	smov.u32 s10  }
0x10: {  	v5 =	vld [tilespmem:s17+$0xFFFFFFD0];
	[tilespmem:s18+$0x2040 ss:$0x81] =	vst.msk $0xffff, v4;
	s25 =	sshra.s32 s10, $0x1F;
	s26 =	sand.u32 $0x78, s10;
	s19 =	sadd.s32 s20, s19  }
0x11: {  	v58 =	vld [tilespmem:s17+$0xFFFFFFE0];
	[tilespmem:s18+$0x2850 ss:$0x81] =	vst.msk $0xffff, v3;
	s22 =	sshrl.u32 s28, $0xC;
	s21 =	simm.s32 @!p1 $0x31;
	s23 =	sand.u32 s23, s9  }
0x12: {  	v59 =	vld [tilespmem:s17+$0xFFFFFFF0];
	[tilespmem:s18+$0x3060 ss:$0x81] =	vst.msk $0xffff, v2;
	p1 =	sgt.s32 s10, $0xF80;
	s29 =	sand.u32 s25, s10;
	s20 =	sand.u32 $0xC00, s28  }
0x13: {  	v60 =	vld [tilespmem:s17+$0x0];
	[tilespmem:s18+$0x0 ss:$0x81] =	vst.msk $0xffff, v0;
	s28 =	smul.u32 $0xD000, s9;
	s21 =	ssub.s32 s21, s23;
	s24 =	simm.s32 @!p1 $0xF80  }
0x14: {  	v61 =	vld [tilespmem:s17+$0x10];
	s30 =	smulhi.u32 $0x2762763, s22;
	[tilespmem:s19+$0x3870 ss:$0x81] =	vst.msk $0xffff, v1;
	s20 =	sor.u32 s26, s20;
	s31 =	ssub.s32 $0x32, s21  }
0x15: {  	v62 =	vld [tilespmem:s17+$0x20];
	s23 =	ssub.s32 s24, s29;
	s21 =	sadd.s32 $0xFFFFFFCF, s21;
	s25 =	smul.u32 $0x68, s31;
	[tilespmem:s19+$0x810 ss:$0x81] =	vst.msk $0xffff, v5  }
0x16: {  	v63 =	vld [tilespmem:s17+$0xFFFFFFC0];
	s18 =	smul.u32 $0x68, s30;
	p1 =	sgt.s32 s21, $0x0;
	s27 =	sadd.s32 $0xFFFFF080, s23;
	[tilespmem:s19+$0x1020 ss:$0x81] =	vst.msk $0xffff, v58  }
0x17: {  	s17 =	ssub.s32 $0x1000, s23;
	[tilespmem:s19+$0x1830 ss:$0x81] =	vst.msk $0xffff, v59;
	s25 =	simm.s32 @p1 $0x0;
	p1 =	sgt.s32 s27, $0x7F  }
0x18: {  	s29 =	sand.u32 $0x7, s10;
	[tilespmem:s19+$0x2040 ss:$0x81] =	vst.msk $0xffff, v60;
	s18 =	ssub.s32 s22, s18;
	s17 =	simm.s32 @p1 $0x0  }
0x19: {  	s21 =	sadd.s32 s3, s28;
	[tilespmem:s19+$0x2850 ss:$0x81] =	vst.msk $0xffff, v61;
	s18 =	sshll.u32 s18, $0x9;
	s17 =	smul.u32 s17, s25  }
0x1a: {  	s20 =	sshrl.u32 s20, $0x3;
	s30 =	sshll.u32 s29, $0x12;
	[tilespmem:s19+$0x3060 ss:$0x81] =	vst.msk $0xffff, v62;
	s18 =	sadd.s32 s18, s21  }
0x1b: {  	[tilespmem:s19+$0x0 ss:$0x81] =	vst.msk $0xffff, v63;
	s31 =	sor.u32 $0x400, s30;
	s18 =	sadd.s32 s20, s18;
	s17 =	sand.u32 $0x3FFFFFF8, s17  }
0x1c: {  	[hbm4b:s18+s31] =	stream.strided.scatter [tilespmem:s16], [sflag:$0x2], s17, s8, s31, $0x20;
	[tilespmem:$0x10100] =	vst v63  }
.LBB1_5:
0x1d: {  	p1 =	slt.u32 s13, $0x2  }
0x1e: {  	s17 =	smov.u32 s15;
	p2 =	sgt.s32 @!p1 s15, $0x31;
	s16 =	sshra.s32 @!p1 s15, $0x1F  }
0x1f: {  	p3 =	sgt.s32 @!p1 s14, $0xF80;
	s18 =	sshra.s32 @!p1 s14, $0x1F;
	p2 =	por !p2, p1  }
0x20: {  	s15 =	sand.u32 @!p1 s16, s15;
	p3 =	por !p3, p1;
	s16 =	smov.u32 s14  }
0x21: {  	s14 =	sand.u32 @!p1 s18, s14;
	s17 =	simm.s32 @p2 $0x31;
	s16 =	simm.s32 @p3 $0xF80  }
0x22: {  	s18 =	smov.u32 s12;
	s15 =	ssub.s32 @!p1 s17, s15;
	s14 =	ssub.s32 @!p1 s16, s14  }
0x23: {  	s16 =	sadd.s32 @!p1 $0xFFFFFFCF, s15;
	s15 =	ssub.s32 @!p1 $0x32, s15;
	s17 =	sadd.s32 @!p1 $0xFFFFF080, s14  }
0x24: {  	p2 =	sgt.s32 @!p1 s16, $0x0;
	s15 =	smul.u32 @!p1 $0x68, s15;
	p3 =	sgt.s32 @!p1 s17, $0x7F  }
0x25: {  	s14 =	ssub.s32 @!p1 $0x1000, s14;
	p2 =	por !p2, p1;
	p3 =	por !p3, p1  }
0x26: {  	s16 =	sadd.s32 $0x1, s11;
	s15 =	simm.s32 @!p2 $0x0;
	s14 =	simm.s32 @!p3 $0x0  }
0x27: {  	p2 =	sgt.s32 s16, $0x31;
	s14 =	smul.u32 @!p1 s14, s15;
	s15 =	sadd.s32 $0x1000, s12  }
0x28: {  	s18 =	smov.u32 @p2 s15  }
0x29: {  	s16 =	simm.s32 @p2 $0x0;
	p2 =	sgt.s32 s18, $0xFFF  }
0x2a: {  	s18 =	smov.u32 @p2 s2;
	p2 =	sne.s32 s13, s7  }
.Ltmp1:
0x2b: {  	p0 =	por !p0, !p0;
	s17 =	simm.s32 @!p1 $0x2;
	(pc) =	sbr.rel @!p2 .LBB1_6-.Ltmp1, $4  }
0x2c: {  	s15 =	smov.u32 s9;
	s9 =	smov.u32 s11;
	s14 =	sand.u32 @!p1 $0x3FFFFFF8, s14  }
0x2d: {  	s11 =	smov.u32 s16;
	_ =	swait.ge @!p1 [sflag:s17], s14;
	s19 =	ssub.s32 @!p1 $0x0, s14  }
0x2e: {  	s14 =	smov.u32 s10;
	s13 =	sadd.s32 $0x1, s13;
	[sflag:s17] =	ssyncset.done @!p1 $0x0  }
0x2f: {  	s10 =	smov.u32 s12;
	s12 =	smov.u32 s18;
	[sflag:s17] =	ssyncadd.s32 @!p1 s19  }
.LBB1_1:
0x30: {  	p1 =	sge.u32 s13, s5  }
0x31: {  	s16 =	sand.u32 @!p1 $0x1FFFFFF, s11  }
0x32: {  	s17 =	smulhi.u32 @!p1 $0x4924925, s16;
	_ =	sdelay $0x1  }
0x33: {  	s17 =	smul.u32 @!p1 $0x38, s17  }
0x34: {  	s18 =	sxor.u32 @!p1 $0xFFFFFFFF, s13;
	s19 =	smul.u32 @!p1 $0x380, s12  }
0x35: {  	s31 =	sadd.s32 $0xFFFFFFFF, s13;
	s18 =	sshll.u32 @!p1 s18, $0xE;
	s16 =	ssub.s32 @!p1 s16, s17  }
0x36: {  	s17 =	sand.u32 @!p1 $0x4000, s18;
	s18 =	sadd.s32 @!p1 s6, s19;
	s16 =	sshll.u32 @!p1 s16, $0x4  }
0x37: {  	s19 =	simm.s32 @!p1 $0x1C00;
	s16 =	sadd.s32 @!p1 s16, s18;
	s18 =	simm.s32 @!p1 $0x80  }
0x38: {  	[tilespmem:s17], [sflag:$0x1] =	stream.strided.gather @!p1 [hbm4b:s16+s18], $0x4000, s19, s18, $0x38;
	[tilespmem:$0x10100] =	vst v63  }
0x39: {  	p1 =	sge.u32 s31, s5  }
.Ltmp2:
0x3a: {  	_ = 	snop;
	(pc) =	sbr.rel @p1 .LBB1_5-.Ltmp2, $1  }
0x3b: {  	_ =	sdelay $0x3  }
0x3c: {  	s16 =	simm.s32 $0x1  }
0x3d: {  	_ =	swait.ge [sflag:s4], $0x4000;
	s16 =	simm.s32 @!p0 $0x0  }
0x3e: {  	[sflag:s4] =	ssyncset.done $0x0;
	s17 =	sshll.u32 s16, $0xE  }
0x3f: {  	[sflag:s4] =	ssyncadd.s32 $0xFFFFC000;
	s17 =	sor.u32 $0x40, s17  }
0x40: {  	s16 =	smul.u32 $0x10200, s16;
	v0 =	vld [tilespmem:s17+$0x30]  }
0x41: {  	v1 =	vld [tilespmem:s17+$0xFFFFFFD0]  }
0x42: {  	s16 =	sshrl.u32 s16, $0x2;
	v5 =	vld [tilespmem:s17+$0xFFFFFFE0]  }
0x43: {  	v6 =	vld [tilespmem:s17+$0xFFFFFFF0];
	s19 =	sor.u32 $0x8000, s16  }
0x44: {  	s31 =	sand.u32 $0x1, s13;
	v4 =	vld [tilespmem:s17+$0x0];
	s18 =	sadd.s32 $0x0, s19  }
0x45: {  	v3 =	vld [tilespmem:s17+$0x10];
	s16 =	smul.u32 $0x10200, s31;
	[tilespmem:s18+$0x3870 ss:$0x81] =	vst.msk $0xffff, v0  }
0x46: {  	v2 =	vld [tilespmem:s17+$0x20];
	[tilespmem:s18+$0x810 ss:$0x81] =	vst.msk $0xffff, v1  }
0x47: {  	s16 =	sshrl.u32 s16, $0x2;
	v0 =	vld [tilespmem:s17+$0xFFFFFFC0];
	[tilespmem:s18+$0x1020 ss:$0x81] =	vst.msk $0xffff, v5;
	s17 =	sadd.s32 $0x80, s17  }
0x48: {  	s20 =	simm.s32 $0x4;
	s21 =	simm.s32 $0x8;
	s16 =	sor.u32 $0x8000, s16;
	[tilespmem:s18+$0x1830 ss:$0x81] =	vst.msk $0xffff, v6;
	v1 =	vld [tilespmem:s17+$0x30]  }
.LBB1_3:
0x49: {  	p1 =	sne.s32 s21, $0x1FC;
	v5 =	vld [tilespmem:s17+$0xFFFFFFD0];
	[tilespmem:s18+$0x2040 ss:$0x81] =	vst.msk $0xffff, v4  }
0x4a: {  	v6 =	vld [tilespmem:s17+$0xFFFFFFE0];
	[tilespmem:s18+$0x2850 ss:$0x81] =	vst.msk $0xffff, v3  }
0x4b: {  	s22 =	sshra.s32 s20, $0x2;
	s20 =	smov.u32 s21;
	v7 =	vld [tilespmem:s17+$0xFFFFFFF0];
	[tilespmem:s18+$0x3060 ss:$0x81] =	vst.msk $0xffff, v2  }
.Ltmp3:
0x4c: {  	v4 =	vld [tilespmem:s17+$0x0];
	[tilespmem:s18+$0x0 ss:$0x81] =	vst.msk $0xffff, v0;
	s18 =	sadd.s32 s22, s19;
	(pc) =	sbr.rel @p1 .LBB1_3-.Ltmp3, $4  }
0x4d: {  	v3 =	vld [tilespmem:s17+$0x10];
	[tilespmem:s18+$0x3870 ss:$0x81] =	vst.msk $0xffff, v1  }
0x4e: {  	[tilespmem:s18+$0x810 ss:$0x81] =	vst.msk $0xffff, v5;
	v2 =	vld [tilespmem:s17+$0x20]  }
0x4f: {  	v0 =	vld [tilespmem:s17+$0xFFFFFFC0];
	[tilespmem:s18+$0x1020 ss:$0x81] =	vst.msk $0xffff, v6;
	s17 =	sadd.s32 $0x80, s17  }
0x50: {  	s21 =	sadd.s32 $0x4, s21;
	v1 =	vld [tilespmem:s17+$0x30];
	[tilespmem:s18+$0x1830 ss:$0x81] =	vst.msk $0xffff, v7  }
.Ltmp4:
0x51: {  	_ = 	snop;
	(pc) =	sbr.rel .LBB1_4-.Ltmp4, $1  }
0x52: {  	_ =	sdelay $0x3  }
.LBB1_6:
0x53: {  	_ =	sfence.sel $0x180000  }
0x54: {  	s2 =	simm.s32 $0x1;
	[bflag:$0x0] =	sbarrier.arrive $0xFFFF  }
0x55: {  	s31 =	simm.s32 $0x2;
	[sflag:s2] =	ssyncpa.u1 $0x1  }
0x56: {  	[sflag:s31] =	ssyncpa.u1 $0x1  }
0x57: {  	p0 =	sne.s32 s0, $0x0;
	_ =	strace $0x9000004A  }
0x58: {  	s0 =	sadd.s32 @!p0 $0x100000, s1;
	[bflag:$0x2] =	sbarrier.arrive $0xFFFF  }
0x59: {  	[sflag:s0] =	ssyncadd.tile.s32 @!p0 $0x1;
	_ =	shalt  }
.Lfunc_end1:
_tile_overlayer_lowered:
.L_overlay_start_2:
0x5a: {  	(tag) =	ssettag $0x2  }
0x5b: {  	s0 =	rddreg [dreg:$0x0];
	s2 =	stileid.u32  }
0x5c: {  	s1 =	rddreg [dreg:$0x1];
	p0 =	sne.s32 s2, $0x0  }
0x5d: {  	s3 =	rddreg [dreg:$0x2];
	[bflag:$0x3] =	sbarrier.arrive $0xFFFF;
	s2 =	simm.s32 @!p0 $0x1C01  }
0x5e: {  	[timem:s3], [sflag:s2] =	dma.local @!p0 [hbm:s0], s1  }
0x5f: {  	s0 =	simm.s32 @!p0 $0x1  }
0x60: {  	_ =	swait.ge @!p0 [sflag:s0], s1  }
0x61: {  	s1 =	ssub.s32 @!p0 $0x0, s1;
	[sflag:s0] =	ssyncset.done @!p0 $0x0  }
0x62: {  	[sflag:s0] =	ssyncadd.s32 @!p0 s1  }
0x63: {  	[bflag:$0x3] =	sbarrier.arrive $0xFFFF  }
0x64: {  	_ =	shalt  }

</sc_bundles>
